<compile_context>
chip_gen: v7x
topology: tpu7x:2x2x1
jax: 0.10.2.dev20260603
libtpu: 0.0.44.dev20260713+nightly
codegen_flags: <defaults>
</compile_context>

<pallas_src>
import functools

import jax
import jax.numpy as jnp
import numpy as np
from jax import lax
from jax.experimental import pallas as pl
from jax.experimental.pallas import tpu as pltpu
from jax.experimental.pallas import tpu_sc as plsc

VOCAB = 100000
D = 64
MAXLEN = 200
NG1 = 21
MAX_G = 3
BATCH = 4096
SEQLEN = 200
N = BATCH * SEQLEN



def _pe_table():
    pe = np.zeros((MAXLEN, D), dtype=np.float32)
    position = np.arange(MAXLEN, dtype=np.float32)[:, None]
    div_term = np.exp(np.arange(0, D, 2, dtype=np.float32) * (-np.log(10000.0) / D))
    pe[:, 0::2] = np.sin(position * div_term)
    pe[:, 1::2] = np.cos(position * div_term)
    return pe


_PE = _pe_table()


_R = 2000


def _fuse_body(tok_ref, gid_ref, gtab_ref, out_ref):
    gids = gid_ref[...]
    iota = lax.broadcasted_iota(jnp.int32, (_R, NG1), 1)
    counts = jnp.zeros((_R, NG1), jnp.float32)
    for g in range(MAX_G):
        gid_g = lax.slice(gids, (0, g), (_R, g + 1))
        counts = counts + (gid_g == iota).astype(jnp.float32)
    gavg = lax.dot_general(
        counts, gtab_ref[...], (((1,), (0,)), ((), ())),
        preferred_element_type=jnp.float32,
    )
    out_ref[...] = tok_ref[...] + gavg * (1.0 / MAX_G)


def _build_fused(token_table, genre_table, token_to_genres):
    return pl.pallas_call(
        _fuse_body,
        grid=(VOCAB // _R,),
        in_specs=[
            pl.BlockSpec((_R, D), lambda i: (i, 0)),
            pl.BlockSpec((_R, MAX_G), lambda i: (i, 0)),
            pl.BlockSpec((NG1, D), lambda i: (0, 0)),
        ],
        out_specs=pl.BlockSpec((_R, D), lambda i: (i, 0)),
        out_shape=jax.ShapeDtypeStruct((VOCAB, D), jnp.float32),
    )(token_table, token_to_genres, genre_table)



_NW = 32
_BPW = BATCH // _NW
_CH = SEQLEN
_IW0 = 104
_IW1 = 96


def _gather_pe_body(fused_hbm, seq_hbm, pe_hbm, out_hbm,
                    idx_v, rows_v, pe_v, gsems, wsems):
    wid = lax.axis_index("s") * 2 + lax.axis_index("c")
    b0 = wid * _BPW
    pltpu.sync_copy(pe_hbm, pe_v)

    def load_idx(buf, c):
        pltpu.sync_copy(seq_hbm.at[b0 + c], idx_v.at[buf])

    def start_gathers(buf, c):
        pltpu.async_copy(
            fused_hbm.at[idx_v.at[buf, pl.ds(0, _IW0)]],
            rows_v.at[buf, pl.ds(0, _IW0)], gsems.at[buf])
        pltpu.async_copy(
            fused_hbm.at[idx_v.at[buf, pl.ds(_IW0, _IW1)]],
            rows_v.at[buf, pl.ds(_IW0, _IW1)], gsems.at[buf])

    def wait_gathers(buf):
        pltpu.make_async_copy(
            out_hbm.at[b0], rows_v.at[buf], gsems.at[buf]).wait()

    def add_pe(buf):
        @pl.loop(0, _CH)
        def _(j):
            for s in range(D // 16):
                sl = pl.ds(s * 16, 16)
                rows_v[buf, j, sl] = rows_v[buf, j, sl] + pe_v[j, sl]

    def start_write(buf, c):
        pltpu.async_copy(rows_v.at[buf], out_hbm.at[b0 + c], wsems.at[buf])

    def wait_write(buf):
        pltpu.make_async_copy(
            rows_v.at[buf], out_hbm.at[b0], wsems.at[buf]).wait()

    load_idx(0, 0)
    start_gathers(0, 0)
    load_idx(1, 1)
    start_gathers(1, 1)

    @pl.loop(0, _BPW - 2, step=2)
    def _(cc):
        for buf in range(2):
            wait_gathers(buf)
            add_pe(buf)
            start_write(buf, cc + buf)
        for buf in range(2):
            load_idx(buf, cc + 2 + buf)
            wait_write(buf)
            start_gathers(buf, cc + 2 + buf)

    for buf in range(2):
        wait_gathers(buf)
        add_pe(buf)
        start_write(buf, _BPW - 2 + buf)
    for buf in range(2):
        wait_write(buf)


@functools.cache
def _gather_pe():
    mesh = plsc.VectorSubcoreMesh(core_axis_name="c", subcore_axis_name="s")
    return pl.kernel(
        _gather_pe_body,
        out_type=jax.ShapeDtypeStruct((BATCH, SEQLEN, D), jnp.float32),
        mesh=mesh,
        scratch_types=[
            pltpu.VMEM((2, _CH), jnp.int32),
            pltpu.VMEM((2, _CH, D), jnp.float32),
            pltpu.VMEM((MAXLEN, D), jnp.float32),
            pltpu.SemaphoreType.DMA((2,)),
            pltpu.SemaphoreType.DMA((2,)),
        ],
        compiler_params=pltpu.CompilerParams(use_tc_tiling_on_sc=False),
    )




def kernel(sequence, token_table, genre_table, token_to_genres):
    fused = _build_fused(token_table, genre_table, token_to_genres)
    pe = jnp.asarray(_PE)
    return _gather_pe()(fused, sequence, pe)

# --- scband reference (transcript-rebuilt; emitter-appended) ---
"""Pipeline reference for scband-bertembedding-65274912964883 (READ-ONLY COPY).

The authoritative reference and input builder live on the scoring server;
editing this copy changes nothing except your own understanding.
"""

import jax, jax.numpy as jnp
import numpy as np

VOCAB = 100000
D = 64
MAXLEN = 200
NUM_GENRES = 20  # ml-20m has ~20 unique genres; index NUM_GENRES is the 'unknown' bucket
MAX_G = 3        # fixed number of genre labels per movie (padded mapping)
BATCH = 4096
SEQLEN = 200


def _positional_encoding(max_len, d_model):
    pe = np.zeros((max_len, d_model), dtype=np.float32)
    position = np.arange(max_len, dtype=np.float32)[:, None]
    div_term = np.exp(np.arange(0, d_model, 2, dtype=np.float32) * (-np.log(10000.0) / d_model))
    pe[:, 0::2] = np.sin(position * div_term)
    pe[:, 1::2] = np.cos(position * div_term)
    return jnp.asarray(pe)


def setup_inputs(seed: int = 0) -> dict:
    key = jax.random.key(seed)
    k1, k2, k3, k4 = jax.random.split(key, 4)
    sequence = jax.random.randint(k1, (BATCH, SEQLEN), 0, VOCAB, dtype=jnp.int32)
    # learned parameters
    token_table = jax.random.normal(k2, (VOCAB, D), dtype=jnp.float32) * 0.02
    genre_table = jax.random.normal(k3, (NUM_GENRES + 1, D), dtype=jnp.float32) * 0.02
    # static token -> genre-label mapping (stand-in for the pickle/csv lookup tables)
    token_to_genres = jax.random.randint(k4, (VOCAB, MAX_G), 0, NUM_GENRES + 1, dtype=jnp.int32)
    return {
        "sequence": sequence,
        "token_table": token_table,
        "genre_table": genre_table,
        "token_to_genres": token_to_genres,
    }


def reference(sequence, token_table, genre_table, token_to_genres):
    # 1. TokenEmbedding: table gather
    tok = jnp.take(token_table, sequence, axis=0)                 # [B, L, D]
    # 2. Genre embedding: token -> genre ids -> embeddings -> mean over genres
    gids = jnp.take(token_to_genres, sequence, axis=0)            # [B, L, MAX_G]
    gemb = jnp.take(genre_table, gids, axis=0)                    # [B, L, MAX_G, D]
    gavg = jnp.mean(gemb, axis=2)                                 # [B, L, D]
    # 3. PositionalEmbedding: fixed sinusoidal, sliced to seq len
    pe = _positional_encoding(MAXLEN, D)[None, : sequence.shape[1], :]
    x = tok + gavg + pe
    # dropout in eval mode -> identity
    return x

if __name__ == "__main__":
    import jax
    _d = setup_inputs()
    print(jax.jit(kernel)(*tuple(_d.values())))

</pallas_src>

<mosaic_0001>
#map = affine_map<(d0, d1) -> (0, 0)>
#map1 = affine_map<(d0, d1) -> (0, 0, 0)>
module attributes {stable_mosaic.version = 14 : i64} {
  func.func @_gather_pe_body(%arg0: i32, %arg1: i32, %arg2: memref<100000x64xf32, #tpu.memory_space<hbm>>, %arg3: memref<4096x200xi32, #tpu.memory_space<hbm>>, %arg4: memref<200x64xf32, #tpu.memory_space<hbm>>, %arg5: memref<4096x200x64xf32, #tpu.memory_space<hbm>>, %arg6: memref<2x200xi32, #tpu.memory_space<vmem>>, %arg7: memref<2x200x64xf32, #tpu.memory_space<vmem>>, %arg8: memref<200x64xf32, #tpu.memory_space<vmem>>, %arg9: memref<2x!tpu.dma_semaphore, #tpu.memory_space<semaphore_mem>>, %arg10: memref<2x!tpu.dma_semaphore, #tpu.memory_space<semaphore_mem>>) attributes {dimension_semantics = [#tpu.dimension_semantics<core_parallel>, #tpu.dimension_semantics<subcore_parallel>], iteration_bounds = array<i64: 2, 16>, scalar_prefetch = 0 : i64, scratch_operands = 5 : i64, tpu.core_type = #tpu.core_type<sc_vector_subcore>, window_params = [{transform_indices = #map}, {transform_indices = #map}, {transform_indices = #map}, {transform_indices = #map1}]} {
    %mul3A = arith.constant 2 : i32
    %mul3A_0 = arith.muli %arg1, %mul3A : i32
    %add3A = arith.addi %mul3A_0, %arg0 : i32
    %mul3A_1 = arith.constant 128 : i32
    %mul3A_2 = arith.muli %add3A, %mul3A_1 : i32
    "tpu.region"() ({
      %run_scoped3A_204 = tpu.sem_alloc : memref<!tpu.dma_semaphore, #tpu.memory_space<semaphore_mem>>
      tpu.enqueue_dma source(%arg4 : memref<200x64xf32, #tpu.memory_space<hbm>>) target(%arg8 : memref<200x64xf32, #tpu.memory_space<vmem>>) target_semaphore(%run_scoped3A_204 : memref<!tpu.dma_semaphore, #tpu.memory_space<semaphore_mem>>)
      tpu.wait_dma2 semaphore(%run_scoped3A_204 : memref<!tpu.dma_semaphore, #tpu.memory_space<semaphore_mem>>) src(%arg4 : memref<200x64xf32, #tpu.memory_space<hbm>>) dst(%arg8 : memref<200x64xf32, #tpu.memory_space<vmem>>)
      tpu.yield
    }) : () -> ()
    %add3A_3 = arith.constant 0 : i32
    %add3A_4 = arith.addi %mul3A_2, %add3A_3 : i32
    %run_scoped3A = arith.constant 0 : i32
    "tpu.region"() ({
      %run_scoped3A_204 = tpu.sem_alloc : memref<!tpu.dma_semaphore, #tpu.memory_space<semaphore_mem>>
      %dma_start3A_205 = arith.constant 0 : i32
      %dma_start3A_206 = tpu.memref_slice %arg6[%run_scoped3A, %dma_start3A_205] : memref<2x200xi32, #tpu.memory_space<vmem>> -> memref<1x200xi32, #tpu.memory_space<vmem>>
      %dma_start3A_207 = tpu.memref_squeeze %dma_start3A_206 : memref<1x200xi32, #tpu.memory_space<vmem>> -> memref<200xi32, #tpu.memory_space<vmem>>
      %dma_start3A_208 = arith.constant 0 : i32
      %dma_start3A_209 = tpu.memref_slice %arg3[%add3A_4, %dma_start3A_208] : memref<4096x200xi32, #tpu.memory_space<hbm>> -> memref<1x200xi32, #tpu.memory_space<hbm>>
      %dma_start3A_210 = tpu.memref_squeeze %dma_start3A_209 : memref<1x200xi32, #tpu.memory_space<hbm>> -> memref<200xi32, #tpu.memory_space<hbm>>
      %dma_start3A_211 = arith.constant 0 : i32
      %dma_start3A_212 = tpu.memref_slice %arg6[%run_scoped3A, %dma_start3A_211] : memref<2x200xi32, #tpu.memory_space<vmem>> -> memref<1x200xi32, #tpu.memory_space<vmem>>
      %dma_start3A_213 = tpu.memref_squeeze %dma_start3A_212 : memref<1x200xi32, #tpu.memory_space<vmem>> -> memref<200xi32, #tpu.memory_space<vmem>>
      %dma_start3A_214 = arith.constant 0 : i32
      %dma_start3A_215 = tpu.memref_slice %arg3[%add3A_4, %dma_start3A_214] : memref<4096x200xi32, #tpu.memory_space<hbm>> -> memref<1x200xi32, #tpu.memory_space<hbm>>
      %dma_start3A_216 = tpu.memref_squeeze %dma_start3A_215 : memref<1x200xi32, #tpu.memory_space<hbm>> -> memref<200xi32, #tpu.memory_space<hbm>>
      tpu.enqueue_dma source(%dma_start3A_216 : memref<200xi32, #tpu.memory_space<hbm>>) target(%dma_start3A_213 : memref<200xi32, #tpu.memory_space<vmem>>) target_semaphore(%run_scoped3A_204 : memref<!tpu.dma_semaphore, #tpu.memory_space<semaphore_mem>>)
      %dma_wait3A_217 = arith.constant 0 : i32
      %dma_wait3A_218 = tpu.memref_slice %arg6[%run_scoped3A, %dma_wait3A_217] : memref<2x200xi32, #tpu.memory_space<vmem>> -> memref<1x200xi32, #tpu.memory_space<vmem>>
      %dma_wait3A_219 = tpu.memref_squeeze %dma_wait3A_218 : memref<1x200xi32, #tpu.memory_space<vmem>> -> memref<200xi32, #tpu.memory_space<vmem>>
      %dma_wait3A_220 = arith.constant 0 : i32
      %dma_wait3A_221 = tpu.memref_slice %arg3[%add3A_4, %dma_wait3A_220] : memref<4096x200xi32, #tpu.memory_space<hbm>> -> memref<1x200xi32, #tpu.memory_space<hbm>>
      %dma_wait3A_222 = tpu.memref_squeeze %dma_wait3A_221 : memref<1x200xi32, #tpu.memory_space<hbm>> -> memref<200xi32, #tpu.memory_space<hbm>>
      %dma_wait3A_223 = arith.constant 0 : i32
      %dma_wait3A_224 = tpu.memref_slice %arg6[%run_scoped3A, %dma_wait3A_223] : memref<2x200xi32, #tpu.memory_space<vmem>> -> memref<1x200xi32, #tpu.memory_space<vmem>>
      %dma_wait3A_225 = tpu.memref_squeeze %dma_wait3A_224 : memref<1x200xi32, #tpu.memory_space<vmem>> -> memref<200xi32, #tpu.memory_space<vmem>>
      %dma_wait3A_226 = arith.constant 0 : i32
      %dma_wait3A_227 = tpu.memref_slice %arg3[%add3A_4, %dma_wait3A_226] : memref<4096x200xi32, #tpu.memory_space<hbm>> -> memref<1x200xi32, #tpu.memory_space<hbm>>
      %dma_wait3A_228 = tpu.memref_squeeze %dma_wait3A_227 : memref<1x200xi32, #tpu.memory_space<hbm>> -> memref<200xi32, #tpu.memory_space<hbm>>
      tpu.wait_dma2 semaphore(%run_scoped3A_204 : memref<!tpu.dma_semaphore, #tpu.memory_space<semaphore_mem>>) src(%dma_wait3A_228 : memref<200xi32, #tpu.memory_space<hbm>>) dst(%dma_wait3A_225 : memref<200xi32, #tpu.memory_space<vmem>>)
      tpu.yield
    }) : () -> ()
    %dma_start3A = arith.constant 0 : i32
    %dma_start3A_5 = arith.constant 0 : i32
    %dma_start3A_6 = arith.constant 0 : i32
    %dma_start3A_7 = arith.constant 0 : i32
    %dma_start3A_8 = arith.constant 0 : i32
    %dma_start3A_9 = tpu.memref_slice %arg7[%dma_start3A_5, %dma_start3A_7, %dma_start3A_8] : memref<2x200x64xf32, #tpu.memory_space<vmem>> -> memref<1x104x64xf32, #tpu.memory_space<vmem>>
    %dma_start3A_10 = tpu.memref_squeeze %dma_start3A_9 : memref<1x104x64xf32, #tpu.memory_space<vmem>> -> memref<104x64xf32, #tpu.memory_space<vmem>>
    %dma_start3A_11 = arith.constant 0 : i32
    %dma_start3A_12 = tpu.memref_slice %arg6[%dma_start3A, %dma_start3A_11] : memref<2x200xi32, #tpu.memory_space<vmem>> -> memref<1x104xi32, #tpu.memory_space<vmem>>
    %dma_start3A_13 = tpu.memref_squeeze %dma_start3A_12 : memref<1x104xi32, #tpu.memory_space<vmem>> -> memref<104xi32, #tpu.memory_space<vmem>>
    %dma_start3A_14 = arith.constant 0 : i32
    %dma_start3A_15 = arith.constant 0 : i32
    %dma_start3A_16 = tpu.memref_slice %arg2[%dma_start3A_14, %dma_start3A_15] : memref<100000x64xf32, #tpu.memory_space<hbm>> -> memref<100000x64xf32, #tpu.memory_space<hbm>>
    %dma_start3A_17 = tpu.memref_slice %arg9[%dma_start3A_6] : memref<2x!tpu.dma_semaphore, #tpu.memory_space<semaphore_mem>> -> memref<1x!tpu.dma_semaphore, #tpu.memory_space<semaphore_mem>>
    %dma_start3A_18 = tpu.memref_squeeze %dma_start3A_17 : memref<1x!tpu.dma_semaphore, #tpu.memory_space<semaphore_mem>> -> memref<!tpu.dma_semaphore, #tpu.memory_space<semaphore_mem>>
    tpu.enqueue_indirect_dma source(%dma_start3A_16 : memref<100000x64xf32, #tpu.memory_space<hbm>>) target(%dma_start3A_10 : memref<104x64xf32, #tpu.memory_space<vmem>>) offsets(%dma_start3A_13 : memref<104xi32, #tpu.memory_space<vmem>>) semaphore(%dma_start3A_18 : memref<!tpu.dma_semaphore, #tpu.memory_space<semaphore_mem>>)
    %dma_start3A_19 = arith.constant 0 : i32
    %dma_start3A_20 = arith.constant 0 : i32
    %dma_start3A_21 = arith.constant 0 : i32
    %dma_start3A_22 = arith.constant 104 : i32
    %dma_start3A_23 = arith.constant 0 : i32
    %dma_start3A_24 = tpu.memref_slice %arg7[%dma_start3A_20, %dma_start3A_22, %dma_start3A_23] : memref<2x200x64xf32, #tpu.memory_space<vmem>> -> memref<1x96x64xf32, #tpu.memory_space<vmem>>
    %dma_start3A_25 = tpu.memref_squeeze %dma_start3A_24 : memref<1x96x64xf32, #tpu.memory_space<vmem>> -> memref<96x64xf32, #tpu.memory_space<vmem>>
    %dma_start3A_26 = arith.constant 104 : i32
    %dma_start3A_27 = tpu.memref_slice %arg6[%dma_start3A_19, %dma_start3A_26] : memref<2x200xi32, #tpu.memory_space<vmem>> -> memref<1x96xi32, #tpu.memory_space<vmem>>
    %dma_start3A_28 = tpu.memref_squeeze %dma_start3A_27 : memref<1x96xi32, #tpu.memory_space<vmem>> -> memref<96xi32, #tpu.memory_space<vmem>>
    %dma_start3A_29 = arith.constant 0 : i32
    %dma_start3A_30 = arith.constant 0 : i32
    %dma_start3A_31 = tpu.memref_slice %arg2[%dma_start3A_29, %dma_start3A_30] : memref<100000x64xf32, #tpu.memory_space<hbm>> -> memref<100000x64xf32, #tpu.memory_space<hbm>>
    %dma_start3A_32 = tpu.memref_slice %arg9[%dma_start3A_21] : memref<2x!tpu.dma_semaphore, #tpu.memory_space<semaphore_mem>> -> memref<1x!tpu.dma_semaphore, #tpu.memory_space<semaphore_mem>>
    %dma_start3A_33 = tpu.memref_squeeze %dma_start3A_32 : memref<1x!tpu.dma_semaphore, #tpu.memory_space<semaphore_mem>> -> memref<!tpu.dma_semaphore, #tpu.memory_space<semaphore_mem>>
    tpu.enqueue_indirect_dma source(%dma_start3A_31 : memref<100000x64xf32, #tpu.memory_space<hbm>>) target(%dma_start3A_25 : memref<96x64xf32, #tpu.memory_space<vmem>>) offsets(%dma_start3A_28 : memref<96xi32, #tpu.memory_space<vmem>>) semaphore(%dma_start3A_33 : memref<!tpu.dma_semaphore, #tpu.memory_space<semaphore_mem>>)
    %add3A_34 = arith.constant 1 : i32
    %add3A_35 = arith.addi %mul3A_2, %add3A_34 : i32
    %run_scoped3A_36 = arith.constant 1 : i32
    "tpu.region"() ({
      %run_scoped3A_204 = tpu.sem_alloc : memref<!tpu.dma_semaphore, #tpu.memory_space<semaphore_mem>>
      %dma_start3A_205 = arith.constant 0 : i32
      %dma_start3A_206 = tpu.memref_slice %arg6[%run_scoped3A_36, %dma_start3A_205] : memref<2x200xi32, #tpu.memory_space<vmem>> -> memref<1x200xi32, #tpu.memory_space<vmem>>
      %dma_start3A_207 = tpu.memref_squeeze %dma_start3A_206 : memref<1x200xi32, #tpu.memory_space<vmem>> -> memref<200xi32, #tpu.memory_space<vmem>>
      %dma_start3A_208 = arith.constant 0 : i32
      %dma_start3A_209 = tpu.memref_slice %arg3[%add3A_35, %dma_start3A_208] : memref<4096x200xi32, #tpu.memory_space<hbm>> -> memref<1x200xi32, #tpu.memory_space<hbm>>
      %dma_start3A_210 = tpu.memref_squeeze %dma_start3A_209 : memref<1x200xi32, #tpu.memory_space<hbm>> -> memref<200xi32, #tpu.memory_space<hbm>>
      %dma_start3A_211 = arith.constant 0 : i32
      %dma_start3A_212 = tpu.memref_slice %arg6[%run_scoped3A_36, %dma_start3A_211] : memref<2x200xi32, #tpu.memory_space<vmem>> -> memref<1x200xi32, #tpu.memory_space<vmem>>
      %dma_start3A_213 = tpu.memref_squeeze %dma_start3A_212 : memref<1x200xi32, #tpu.memory_space<vmem>> -> memref<200xi32, #tpu.memory_space<vmem>>
      %dma_start3A_214 = arith.constant 0 : i32
      %dma_start3A_215 = tpu.memref_slice %arg3[%add3A_35, %dma_start3A_214] : memref<4096x200xi32, #tpu.memory_space<hbm>> -> memref<1x200xi32, #tpu.memory_space<hbm>>
      %dma_start3A_216 = tpu.memref_squeeze %dma_start3A_215 : memref<1x200xi32, #tpu.memory_space<hbm>> -> memref<200xi32, #tpu.memory_space<hbm>>
      tpu.enqueue_dma source(%dma_start3A_216 : memref<200xi32, #tpu.memory_space<hbm>>) target(%dma_start3A_213 : memref<200xi32, #tpu.memory_space<vmem>>) target_semaphore(%run_scoped3A_204 : memref<!tpu.dma_semaphore, #tpu.memory_space<semaphore_mem>>)
      %dma_wait3A_217 = arith.constant 0 : i32
      %dma_wait3A_218 = tpu.memref_slice %arg6[%run_scoped3A_36, %dma_wait3A_217] : memref<2x200xi32, #tpu.memory_space<vmem>> -> memref<1x200xi32, #tpu.memory_space<vmem>>
      %dma_wait3A_219 = tpu.memref_squeeze %dma_wait3A_218 : memref<1x200xi32, #tpu.memory_space<vmem>> -> memref<200xi32, #tpu.memory_space<vmem>>
      %dma_wait3A_220 = arith.constant 0 : i32
      %dma_wait3A_221 = tpu.memref_slice %arg3[%add3A_35, %dma_wait3A_220] : memref<4096x200xi32, #tpu.memory_space<hbm>> -> memref<1x200xi32, #tpu.memory_space<hbm>>
      %dma_wait3A_222 = tpu.memref_squeeze %dma_wait3A_221 : memref<1x200xi32, #tpu.memory_space<hbm>> -> memref<200xi32, #tpu.memory_space<hbm>>
      %dma_wait3A_223 = arith.constant 0 : i32
      %dma_wait3A_224 = tpu.memref_slice %arg6[%run_scoped3A_36, %dma_wait3A_223] : memref<2x200xi32, #tpu.memory_space<vmem>> -> memref<1x200xi32, #tpu.memory_space<vmem>>
      %dma_wait3A_225 = tpu.memref_squeeze %dma_wait3A_224 : memref<1x200xi32, #tpu.memory_space<vmem>> -> memref<200xi32, #tpu.memory_space<vmem>>
      %dma_wait3A_226 = arith.constant 0 : i32
      %dma_wait3A_227 = tpu.memref_slice %arg3[%add3A_35, %dma_wait3A_226] : memref<4096x200xi32, #tpu.memory_space<hbm>> -> memref<1x200xi32, #tpu.memory_space<hbm>>
      %dma_wait3A_228 = tpu.memref_squeeze %dma_wait3A_227 : memref<1x200xi32, #tpu.memory_space<hbm>> -> memref<200xi32, #tpu.memory_space<hbm>>
      tpu.wait_dma2 semaphore(%run_scoped3A_204 : memref<!tpu.dma_semaphore, #tpu.memory_space<semaphore_mem>>) src(%dma_wait3A_228 : memref<200xi32, #tpu.memory_space<hbm>>) dst(%dma_wait3A_225 : memref<200xi32, #tpu.memory_space<vmem>>)
      tpu.yield
    }) : () -> ()
    %dma_start3A_37 = arith.constant 1 : i32
    %dma_start3A_38 = arith.constant 1 : i32
    %dma_start3A_39 = arith.constant 1 : i32
    %dma_start3A_40 = arith.constant 0 : i32
    %dma_start3A_41 = arith.constant 0 : i32
    %dma_start3A_42 = tpu.memref_slice %arg7[%dma_start3A_38, %dma_start3A_40, %dma_start3A_41] : memref<2x200x64xf32, #tpu.memory_space<vmem>> -> memref<1x104x64xf32, #tpu.memory_space<vmem>>
    %dma_start3A_43 = tpu.memref_squeeze %dma_start3A_42 : memref<1x104x64xf32, #tpu.memory_space<vmem>> -> memref<104x64xf32, #tpu.memory_space<vmem>>
    %dma_start3A_44 = arith.constant 0 : i32
    %dma_start3A_45 = tpu.memref_slice %arg6[%dma_start3A_37, %dma_start3A_44] : memref<2x200xi32, #tpu.memory_space<vmem>> -> memref<1x104xi32, #tpu.memory_space<vmem>>
    %dma_start3A_46 = tpu.memref_squeeze %dma_start3A_45 : memref<1x104xi32, #tpu.memory_space<vmem>> -> memref<104xi32, #tpu.memory_space<vmem>>
    %dma_start3A_47 = arith.constant 0 : i32
    %dma_start3A_48 = arith.constant 0 : i32
    %dma_start3A_49 = tpu.memref_slice %arg2[%dma_start3A_47, %dma_start3A_48] : memref<100000x64xf32, #tpu.memory_space<hbm>> -> memref<100000x64xf32, #tpu.memory_space<hbm>>
    %dma_start3A_50 = tpu.memref_slice %arg9[%dma_start3A_39] : memref<2x!tpu.dma_semaphore, #tpu.memory_space<semaphore_mem>> -> memref<1x!tpu.dma_semaphore, #tpu.memory_space<semaphore_mem>>
    %dma_start3A_51 = tpu.memref_squeeze %dma_start3A_50 : memref<1x!tpu.dma_semaphore, #tpu.memory_space<semaphore_mem>> -> memref<!tpu.dma_semaphore, #tpu.memory_space<semaphore_mem>>
    tpu.enqueue_indirect_dma source(%dma_start3A_49 : memref<100000x64xf32, #tpu.memory_space<hbm>>) target(%dma_start3A_43 : memref<104x64xf32, #tpu.memory_space<vmem>>) offsets(%dma_start3A_46 : memref<104xi32, #tpu.memory_space<vmem>>) semaphore(%dma_start3A_51 : memref<!tpu.dma_semaphore, #tpu.memory_space<semaphore_mem>>)
    %dma_start3A_52 = arith.constant 1 : i32
    %dma_start3A_53 = arith.constant 1 : i32
    %dma_start3A_54 = arith.constant 1 : i32
    %dma_start3A_55 = arith.constant 104 : i32
    %dma_start3A_56 = arith.constant 0 : i32
    %dma_start3A_57 = tpu.memref_slice %arg7[%dma_start3A_53, %dma_start3A_55, %dma_start3A_56] : memref<2x200x64xf32, #tpu.memory_space<vmem>> -> memref<1x96x64xf32, #tpu.memory_space<vmem>>
    %dma_start3A_58 = tpu.memref_squeeze %dma_start3A_57 : memref<1x96x64xf32, #tpu.memory_space<vmem>> -> memref<96x64xf32, #tpu.memory_space<vmem>>
    %dma_start3A_59 = arith.constant 104 : i32
    %dma_start3A_60 = tpu.memref_slice %arg6[%dma_start3A_52, %dma_start3A_59] : memref<2x200xi32, #tpu.memory_space<vmem>> -> memref<1x96xi32, #tpu.memory_space<vmem>>
    %dma_start3A_61 = tpu.memref_squeeze %dma_start3A_60 : memref<1x96xi32, #tpu.memory_space<vmem>> -> memref<96xi32, #tpu.memory_space<vmem>>
    %dma_start3A_62 = arith.constant 0 : i32
    %dma_start3A_63 = arith.constant 0 : i32
    %dma_start3A_64 = tpu.memref_slice %arg2[%dma_start3A_62, %dma_start3A_63] : memref<100000x64xf32, #tpu.memory_space<hbm>> -> memref<100000x64xf32, #tpu.memory_space<hbm>>
    %dma_start3A_65 = tpu.memref_slice %arg9[%dma_start3A_54] : memref<2x!tpu.dma_semaphore, #tpu.memory_space<semaphore_mem>> -> memref<1x!tpu.dma_semaphore, #tpu.memory_space<semaphore_mem>>
    %dma_start3A_66 = tpu.memref_squeeze %dma_start3A_65 : memref<1x!tpu.dma_semaphore, #tpu.memory_space<semaphore_mem>> -> memref<!tpu.dma_semaphore, #tpu.memory_space<semaphore_mem>>
    tpu.enqueue_indirect_dma source(%dma_start3A_64 : memref<100000x64xf32, #tpu.memory_space<hbm>>) target(%dma_start3A_58 : memref<96x64xf32, #tpu.memory_space<vmem>>) offsets(%dma_start3A_61 : memref<96xi32, #tpu.memory_space<vmem>>) semaphore(%dma_start3A_66 : memref<!tpu.dma_semaphore, #tpu.memory_space<semaphore_mem>>)
    %scan3A = arith.constant 0 : i32
    %scan3A_67 = arith.constant 63 : i32
    %scan3A_68 = arith.addi %scan3A, %scan3A_67 : i32
    %scan3A_69 = arith.constant 1 : i32
    scf.for %scan3A_204 = %scan3A to %scan3A_68 step %scan3A_69  : i32 {
      %mul3A_205 = arith.constant 2 : i32
      %mul3A_206 = arith.muli %scan3A_204, %mul3A_205 : i32
      %add3A_207 = arith.constant 0 : i32
      %add3A_208 = arith.addi %add3A_207, %mul3A_206 : i32
      %dma_wait3A_209 = arith.constant 0 : i32
      %dma_wait3A_210 = arith.constant 0 : i32
      %dma_wait3A_211 = arith.constant 0 : i32
      %dma_wait3A_212 = arith.constant 0 : i32
      %dma_wait3A_213 = tpu.memref_slice %arg7[%dma_wait3A_209, %dma_wait3A_211, %dma_wait3A_212] : memref<2x200x64xf32, #tpu.memory_space<vmem>> -> memref<1x200x64xf32, #tpu.memory_space<vmem>>
      %dma_wait3A_214 = tpu.memref_squeeze %dma_wait3A_213 : memref<1x200x64xf32, #tpu.memory_space<vmem>> -> memref<200x64xf32, #tpu.memory_space<vmem>>
      %dma_wait3A_215 = arith.constant 0 : i32
      %dma_wait3A_216 = arith.constant 0 : i32
      %dma_wait3A_217 = tpu.memref_slice %arg5[%mul3A_2, %dma_wait3A_215, %dma_wait3A_216] : memref<4096x200x64xf32, #tpu.memory_space<hbm>> -> memref<1x200x64xf32, #tpu.memory_space<hbm>>
      %dma_wait3A_218 = tpu.memref_squeeze %dma_wait3A_217 : memref<1x200x64xf32, #tpu.memory_space<hbm>> -> memref<200x64xf32, #tpu.memory_space<hbm>>
      %dma_wait3A_219 = tpu.memref_slice %arg9[%dma_wait3A_210] : memref<2x!tpu.dma_semaphore, #tpu.memory_space<semaphore_mem>> -> memref<1x!tpu.dma_semaphore, #tpu.memory_space<semaphore_mem>>
      %dma_wait3A_220 = tpu.memref_squeeze %dma_wait3A_219 : memref<1x!tpu.dma_semaphore, #tpu.memory_space<semaphore_mem>> -> memref<!tpu.dma_semaphore, #tpu.memory_space<semaphore_mem>>
      %dma_wait3A_221 = arith.constant 0 : i32
      %dma_wait3A_222 = arith.constant 0 : i32
      %dma_wait3A_223 = tpu.memref_slice %arg7[%dma_wait3A_209, %dma_wait3A_221, %dma_wait3A_222] : memref<2x200x64xf32, #tpu.memory_space<vmem>> -> memref<1x200x64xf32, #tpu.memory_space<vmem>>
      %dma_wait3A_224 = tpu.memref_squeeze %dma_wait3A_223 : memref<1x200x64xf32, #tpu.memory_space<vmem>> -> memref<200x64xf32, #tpu.memory_space<vmem>>
      %dma_wait3A_225 = arith.constant 0 : i32
      %dma_wait3A_226 = arith.constant 0 : i32
      %dma_wait3A_227 = tpu.memref_slice %arg5[%mul3A_2, %dma_wait3A_225, %dma_wait3A_226] : memref<4096x200x64xf32, #tpu.memory_space<hbm>> -> memref<1x200x64xf32, #tpu.memory_space<hbm>>
      %dma_wait3A_228 = tpu.memref_squeeze %dma_wait3A_227 : memref<1x200x64xf32, #tpu.memory_space<hbm>> -> memref<200x64xf32, #tpu.memory_space<hbm>>
      tpu.wait_dma2 semaphore(%dma_wait3A_220 : memref<!tpu.dma_semaphore, #tpu.memory_space<semaphore_mem>>) src(%dma_wait3A_228 : memref<200x64xf32, #tpu.memory_space<hbm>>) dst(%dma_wait3A_224 : memref<200x64xf32, #tpu.memory_space<vmem>>)
      %scan3A_229 = arith.constant 0 : i32
      %scan3A_230 = arith.constant 200 : i32
      %scan3A_231 = arith.addi %scan3A_229, %scan3A_230 : i32
      %scan3A_232 = arith.constant 1 : i32
      scf.for %scan3A_425 = %scan3A_229 to %scan3A_231 step %scan3A_232  : i32 {
        %mul3A_426 = arith.constant 1 : i32
        %mul3A_427 = arith.muli %scan3A_425, %mul3A_426 : i32
        %add3A_428 = arith.constant 0 : i32
        %add3A_429 = arith.addi %add3A_428, %mul3A_427 : i32
        %get3A = arith.constant 0 : i32
        %get3A_430 = arith.index_cast %get3A : i32 to index
        %get3A_431 = arith.index_cast %add3A_429 : i32 to index
        %get3A_432 = arith.constant 0 : index
        %get3A_433 = tpu.vector_load %arg7[%get3A_430, %get3A_431, %get3A_432] {strides = array<i32>} : memref<2x200x64xf32, #tpu.memory_space<vmem>>, vector<1x1x16xf32>,
        %get3A_434 = vector.shape_cast %get3A_433 : vector<1x1x16xf32> to vector<16xf32>
        %get3A_435 = arith.index_cast %add3A_429 : i32 to index
        %get3A_436 = arith.constant 0 : index
        %get3A_437 = tpu.vector_load %arg8[%get3A_435, %get3A_436] {strides = array<i32>} : memref<200x64xf32, #tpu.memory_space<vmem>>, vector<1x16xf32>,
        %get3A_438 = vector.shape_cast %get3A_437 : vector<1x16xf32> to vector<16xf32>
        %add3A_439 = arith.addf %get3A_434, %get3A_438 : vector<16xf32>
        %swap3A = arith.constant 0 : i32
        %swap3A_440 = arith.index_cast %swap3A : i32 to index
        %swap3A_441 = arith.index_cast %add3A_429 : i32 to index
        %swap3A_442 = arith.constant 0 : index
        %swap3A_443 = tpu.vector_load %arg7[%swap3A_440, %swap3A_441, %swap3A_442] {strides = array<i32>} : memref<2x200x64xf32, #tpu.memory_space<vmem>>, vector<1x1x16xf32>,
        %swap3A_444 = vector.shape_cast %swap3A_443 : vector<1x1x16xf32> to vector<16xf32>
        %swap3A_445 = vector.shape_cast %add3A_439 : vector<16xf32> to vector<1x1x16xf32>
        tpu.vector_store %arg7[%swap3A_440, %swap3A_441, %swap3A_442], %swap3A_445 {strides = array<i32>} : memref<2x200x64xf32, #tpu.memory_space<vmem>>, vector<1x1x16xf32>,
        %get3A_446 = arith.constant 0 : i32
        %get3A_447 = arith.index_cast %get3A_446 : i32 to index
        %get3A_448 = arith.index_cast %add3A_429 : i32 to index
        %get3A_449 = arith.constant 16 : index
        %get3A_450 = tpu.vector_load %arg7[%get3A_447, %get3A_448, %get3A_449] {strides = array<i32>} : memref<2x200x64xf32, #tpu.memory_space<vmem>>, vector<1x1x16xf32>,
        %get3A_451 = vector.shape_cast %get3A_450 : vector<1x1x16xf32> to vector<16xf32>
        %get3A_452 = arith.index_cast %add3A_429 : i32 to index
        %get3A_453 = arith.constant 16 : index
        %get3A_454 = tpu.vector_load %arg8[%get3A_452, %get3A_453] {strides = array<i32>} : memref<200x64xf32, #tpu.memory_space<vmem>>, vector<1x16xf32>,
        %get3A_455 = vector.shape_cast %get3A_454 : vector<1x16xf32> to vector<16xf32>
        %add3A_456 = arith.addf %get3A_451, %get3A_455 : vector<16xf32>
        %swap3A_457 = arith.constant 0 : i32
        %swap3A_458 = arith.index_cast %swap3A_457 : i32 to index
        %swap3A_459 = arith.index_cast %add3A_429 : i32 to index
        %swap3A_460 = arith.constant 16 : index
        %swap3A_461 = tpu.vector_load %arg7[%swap3A_458, %swap3A_459, %swap3A_460] {strides = array<i32>} : memref<2x200x64xf32, #tpu.memory_space<vmem>>, vector<1x1x16xf32>,
        %swap3A_462 = vector.shape_cast %swap3A_461 : vector<1x1x16xf32> to vector<16xf32>
        %swap3A_463 = vector.shape_cast %add3A_456 : vector<16xf32> to vector<1x1x16xf32>
        tpu.vector_store %arg7[%swap3A_458, %swap3A_459, %swap3A_460], %swap3A_463 {strides = array<i32>} : memref<2x200x64xf32, #tpu.memory_space<vmem>>, vector<1x1x16xf32>,
        %get3A_464 = arith.constant 0 : i32
        %get3A_465 = arith.index_cast %get3A_464 : i32 to index
        %get3A_466 = arith.index_cast %add3A_429 : i32 to index
        %get3A_467 = arith.constant 32 : index
        %get3A_468 = tpu.vector_load %arg7[%get3A_465, %get3A_466, %get3A_467] {strides = array<i32>} : memref<2x200x64xf32, #tpu.memory_space<vmem>>, vector<1x1x16xf32>,
        %get3A_469 = vector.shape_cast %get3A_468 : vector<1x1x16xf32> to vector<16xf32>
        %get3A_470 = arith.index_cast %add3A_429 : i32 to index
        %get3A_471 = arith.constant 32 : index
        %get3A_472 = tpu.vector_load %arg8[%get3A_470, %get3A_471] {strides = array<i32>} : memref<200x64xf32, #tpu.memory_space<vmem>>, vector<1x16xf32>,
        %get3A_473 = vector.shape_cast %get3A_472 : vector<1x16xf32> to vector<16xf32>
        %add3A_474 = arith.addf %get3A_469, %get3A_473 : vector<16xf32>
        %swap3A_475 = arith.constant 0 : i32
        %swap3A_476 = arith.index_cast %swap3A_475 : i32 to index
        %swap3A_477 = arith.index_cast %add3A_429 : i32 to index
        %swap3A_478 = arith.constant 32 : index
        %swap3A_479 = tpu.vector_load %arg7[%swap3A_476, %swap3A_477, %swap3A_478] {strides = array<i32>} : memref<2x200x64xf32, #tpu.memory_space<vmem>>, vector<1x1x16xf32>,
        %swap3A_480 = vector.shape_cast %swap3A_479 : vector<1x1x16xf32> to vector<16xf32>
        %swap3A_481 = vector.shape_cast %add3A_474 : vector<16xf32> to vector<1x1x16xf32>
        tpu.vector_store %arg7[%swap3A_476, %swap3A_477, %swap3A_478], %swap3A_481 {strides = array<i32>} : memref<2x200x64xf32, #tpu.memory_space<vmem>>, vector<1x1x16xf32>,
        %get3A_482 = arith.constant 0 : i32
        %get3A_483 = arith.index_cast %get3A_482 : i32 to index
        %get3A_484 = arith.index_cast %add3A_429 : i32 to index
        %get3A_485 = arith.constant 48 : index
        %get3A_486 = tpu.vector_load %arg7[%get3A_483, %get3A_484, %get3A_485] {strides = array<i32>} : memref<2x200x64xf32, #tpu.memory_space<vmem>>, vector<1x1x16xf32>,
        %get3A_487 = vector.shape_cast %get3A_486 : vector<1x1x16xf32> to vector<16xf32>
        %get3A_488 = arith.index_cast %add3A_429 : i32 to index
        %get3A_489 = arith.constant 48 : index
        %get3A_490 = tpu.vector_load %arg8[%get3A_488, %get3A_489] {strides = array<i32>} : memref<200x64xf32, #tpu.memory_space<vmem>>, vector<1x16xf32>,
        %get3A_491 = vector.shape_cast %get3A_490 : vector<1x16xf32> to vector<16xf32>
        %add3A_492 = arith.addf %get3A_487, %get3A_491 : vector<16xf32>
        %swap3A_493 = arith.constant 0 : i32
        %swap3A_494 = arith.index_cast %swap3A_493 : i32 to index
        %swap3A_495 = arith.index_cast %add3A_429 : i32 to index
        %swap3A_496 = arith.constant 48 : index
        %swap3A_497 = tpu.vector_load %arg7[%swap3A_494, %swap3A_495, %swap3A_496] {strides = array<i32>} : memref<2x200x64xf32, #tpu.memory_space<vmem>>, vector<1x1x16xf32>,
        %swap3A_498 = vector.shape_cast %swap3A_497 : vector<1x1x16xf32> to vector<16xf32>
        %swap3A_499 = vector.shape_cast %add3A_492 : vector<16xf32> to vector<1x1x16xf32>
        tpu.vector_store %arg7[%swap3A_494, %swap3A_495, %swap3A_496], %swap3A_499 {strides = array<i32>} : memref<2x200x64xf32, #tpu.memory_space<vmem>>, vector<1x1x16xf32>,
      }
      %scan3A_233 = arith.constant 200 : i32
      %add3A_234 = arith.constant 0 : i32
      %add3A_235 = arith.addi %add3A_208, %add3A_234 : i32
      %add3A_236 = arith.addi %mul3A_2, %add3A_235 : i32
      %dma_start3A_237 = arith.constant 0 : i32
      %dma_start3A_238 = arith.constant 0 : i32
      %dma_start3A_239 = arith.constant 0 : i32
      %dma_start3A_240 = arith.constant 0 : i32
      %dma_start3A_241 = tpu.memref_slice %arg7[%dma_start3A_237, %dma_start3A_239, %dma_start3A_240] : memref<2x200x64xf32, #tpu.memory_space<vmem>> -> memref<1x200x64xf32, #tpu.memory_space<vmem>>
      %dma_start3A_242 = tpu.memref_squeeze %dma_start3A_241 : memref<1x200x64xf32, #tpu.memory_space<vmem>> -> memref<200x64xf32, #tpu.memory_space<vmem>>
      %dma_start3A_243 = arith.constant 0 : i32
      %dma_start3A_244 = arith.constant 0 : i32
      %dma_start3A_245 = tpu.memref_slice %arg5[%add3A_236, %dma_start3A_243, %dma_start3A_244] : memref<4096x200x64xf32, #tpu.memory_space<hbm>> -> memref<1x200x64xf32, #tpu.memory_space<hbm>>
      %dma_start3A_246 = tpu.memref_squeeze %dma_start3A_245 : memref<1x200x64xf32, #tpu.memory_space<hbm>> -> memref<200x64xf32, #tpu.memory_space<hbm>>
      %dma_start3A_247 = tpu.memref_slice %arg10[%dma_start3A_238] : memref<2x!tpu.dma_semaphore, #tpu.memory_space<semaphore_mem>> -> memref<1x!tpu.dma_semaphore, #tpu.memory_space<semaphore_mem>>
      %dma_start3A_248 = tpu.memref_squeeze %dma_start3A_247 : memref<1x!tpu.dma_semaphore, #tpu.memory_space<semaphore_mem>> -> memref<!tpu.dma_semaphore, #tpu.memory_space<semaphore_mem>>
      %dma_start3A_249 = arith.constant 0 : i32
      %dma_start3A_250 = arith.constant 0 : i32
      %dma_start3A_251 = tpu.memref_slice %arg5[%add3A_236, %dma_start3A_249, %dma_start3A_250] : memref<4096x200x64xf32, #tpu.memory_space<hbm>> -> memref<1x200x64xf32, #tpu.memory_space<hbm>>
      %dma_start3A_252 = tpu.memref_squeeze %dma_start3A_251 : memref<1x200x64xf32, #tpu.memory_space<hbm>> -> memref<200x64xf32, #tpu.memory_space<hbm>>
      %dma_start3A_253 = arith.constant 0 : i32
      %dma_start3A_254 = arith.constant 0 : i32
      %dma_start3A_255 = tpu.memref_slice %arg7[%dma_start3A_237, %dma_start3A_253, %dma_start3A_254] : memref<2x200x64xf32, #tpu.memory_space<vmem>> -> memref<1x200x64xf32, #tpu.memory_space<vmem>>
      %dma_start3A_256 = tpu.memref_squeeze %dma_start3A_255 : memref<1x200x64xf32, #tpu.memory_space<vmem>> -> memref<200x64xf32, #tpu.memory_space<vmem>>
      tpu.enqueue_dma source(%dma_start3A_256 : memref<200x64xf32, #tpu.memory_space<vmem>>) target(%dma_start3A_252 : memref<200x64xf32, #tpu.memory_space<hbm>>) target_semaphore(%dma_start3A_248 : memref<!tpu.dma_semaphore, #tpu.memory_space<semaphore_mem>>)
      %dma_wait3A_257 = arith.constant 1 : i32
      %dma_wait3A_258 = arith.constant 1 : i32
      %dma_wait3A_259 = arith.constant 0 : i32
      %dma_wait3A_260 = arith.constant 0 : i32
      %dma_wait3A_261 = tpu.memref_slice %arg7[%dma_wait3A_257, %dma_wait3A_259, %dma_wait3A_260] : memref<2x200x64xf32, #tpu.memory_space<vmem>> -> memref<1x200x64xf32, #tpu.memory_space<vmem>>
      %dma_wait3A_262 = tpu.memref_squeeze %dma_wait3A_261 : memref<1x200x64xf32, #tpu.memory_space<vmem>> -> memref<200x64xf32, #tpu.memory_space<vmem>>
      %dma_wait3A_263 = arith.constant 0 : i32
      %dma_wait3A_264 = arith.constant 0 : i32
      %dma_wait3A_265 = tpu.memref_slice %arg5[%mul3A_2, %dma_wait3A_263, %dma_wait3A_264] : memref<4096x200x64xf32, #tpu.memory_space<hbm>> -> memref<1x200x64xf32, #tpu.memory_space<hbm>>
      %dma_wait3A_266 = tpu.memref_squeeze %dma_wait3A_265 : memref<1x200x64xf32, #tpu.memory_space<hbm>> -> memref<200x64xf32, #tpu.memory_space<hbm>>
      %dma_wait3A_267 = tpu.memref_slice %arg9[%dma_wait3A_258] : memref<2x!tpu.dma_semaphore, #tpu.memory_space<semaphore_mem>> -> memref<1x!tpu.dma_semaphore, #tpu.memory_space<semaphore_mem>>
      %dma_wait3A_268 = tpu.memref_squeeze %dma_wait3A_267 : memref<1x!tpu.dma_semaphore, #tpu.memory_space<semaphore_mem>> -> memref<!tpu.dma_semaphore, #tpu.memory_space<semaphore_mem>>
      %dma_wait3A_269 = arith.constant 0 : i32
      %dma_wait3A_270 = arith.constant 0 : i32
      %dma_wait3A_271 = tpu.memref_slice %arg7[%dma_wait3A_257, %dma_wait3A_269, %dma_wait3A_270] : memref<2x200x64xf32, #tpu.memory_space<vmem>> -> memref<1x200x64xf32, #tpu.memory_space<vmem>>
      %dma_wait3A_272 = tpu.memref_squeeze %dma_wait3A_271 : memref<1x200x64xf32, #tpu.memory_space<vmem>> -> memref<200x64xf32, #tpu.memory_space<vmem>>
      %dma_wait3A_273 = arith.constant 0 : i32
      %dma_wait3A_274 = arith.constant 0 : i32
      %dma_wait3A_275 = tpu.memref_slice %arg5[%mul3A_2, %dma_wait3A_273, %dma_wait3A_274] : memref<4096x200x64xf32, #tpu.memory_space<hbm>> -> memref<1x200x64xf32, #tpu.memory_space<hbm>>
      %dma_wait3A_276 = tpu.memref_squeeze %dma_wait3A_275 : memref<1x200x64xf32, #tpu.memory_space<hbm>> -> memref<200x64xf32, #tpu.memory_space<hbm>>
      tpu.wait_dma2 semaphore(%dma_wait3A_268 : memref<!tpu.dma_semaphore, #tpu.memory_space<semaphore_mem>>) src(%dma_wait3A_276 : memref<200x64xf32, #tpu.memory_space<hbm>>) dst(%dma_wait3A_272 : memref<200x64xf32, #tpu.memory_space<vmem>>)
      %scan3A_277 = arith.constant 0 : i32
      %scan3A_278 = arith.constant 200 : i32
      %scan3A_279 = arith.addi %scan3A_277, %scan3A_278 : i32
      %scan3A_280 = arith.constant 1 : i32
      scf.for %scan3A_425 = %scan3A_277 to %scan3A_279 step %scan3A_280  : i32 {
        %mul3A_426 = arith.constant 1 : i32
        %mul3A_427 = arith.muli %scan3A_425, %mul3A_426 : i32
        %add3A_428 = arith.constant 0 : i32
        %add3A_429 = arith.addi %add3A_428, %mul3A_427 : i32
        %get3A = arith.constant 1 : i32
        %get3A_430 = arith.index_cast %get3A : i32 to index
        %get3A_431 = arith.index_cast %add3A_429 : i32 to index
        %get3A_432 = arith.constant 0 : index
        %get3A_433 = tpu.vector_load %arg7[%get3A_430, %get3A_431, %get3A_432] {strides = array<i32>} : memref<2x200x64xf32, #tpu.memory_space<vmem>>, vector<1x1x16xf32>,
        %get3A_434 = vector.shape_cast %get3A_433 : vector<1x1x16xf32> to vector<16xf32>
        %get3A_435 = arith.index_cast %add3A_429 : i32 to index
        %get3A_436 = arith.constant 0 : index
        %get3A_437 = tpu.vector_load %arg8[%get3A_435, %get3A_436] {strides = array<i32>} : memref<200x64xf32, #tpu.memory_space<vmem>>, vector<1x16xf32>,
        %get3A_438 = vector.shape_cast %get3A_437 : vector<1x16xf32> to vector<16xf32>
        %add3A_439 = arith.addf %get3A_434, %get3A_438 : vector<16xf32>
        %swap3A = arith.constant 1 : i32
        %swap3A_440 = arith.index_cast %swap3A : i32 to index
        %swap3A_441 = arith.index_cast %add3A_429 : i32 to index
        %swap3A_442 = arith.constant 0 : index
        %swap3A_443 = tpu.vector_load %arg7[%swap3A_440, %swap3A_441, %swap3A_442] {strides = array<i32>} : memref<2x200x64xf32, #tpu.memory_space<vmem>>, vector<1x1x16xf32>,
        %swap3A_444 = vector.shape_cast %swap3A_443 : vector<1x1x16xf32> to vector<16xf32>
        %swap3A_445 = vector.shape_cast %add3A_439 : vector<16xf32> to vector<1x1x16xf32>
        tpu.vector_store %arg7[%swap3A_440, %swap3A_441, %swap3A_442], %swap3A_445 {strides = array<i32>} : memref<2x200x64xf32, #tpu.memory_space<vmem>>, vector<1x1x16xf32>,
        %get3A_446 = arith.constant 1 : i32
        %get3A_447 = arith.index_cast %get3A_446 : i32 to index
        %get3A_448 = arith.index_cast %add3A_429 : i32 to index
        %get3A_449 = arith.constant 16 : index
        %get3A_450 = tpu.vector_load %arg7[%get3A_447, %get3A_448, %get3A_449] {strides = array<i32>} : memref<2x200x64xf32, #tpu.memory_space<vmem>>, vector<1x1x16xf32>,
        %get3A_451 = vector.shape_cast %get3A_450 : vector<1x1x16xf32> to vector<16xf32>
        %get3A_452 = arith.index_cast %add3A_429 : i32 to index
        %get3A_453 = arith.constant 16 : index
        %get3A_454 = tpu.vector_load %arg8[%get3A_452, %get3A_453] {strides = array<i32>} : memref<200x64xf32, #tpu.memory_space<vmem>>, vector<1x16xf32>,
        %get3A_455 = vector.shape_cast %get3A_454 : vector<1x16xf32> to vector<16xf32>
        %add3A_456 = arith.addf %get3A_451, %get3A_455 : vector<16xf32>
        %swap3A_457 = arith.constant 1 : i32
        %swap3A_458 = arith.index_cast %swap3A_457 : i32 to index
        %swap3A_459 = arith.index_cast %add3A_429 : i32 to index
        %swap3A_460 = arith.constant 16 : index
        %swap3A_461 = tpu.vector_load %arg7[%swap3A_458, %swap3A_459, %swap3A_460] {strides = array<i32>} : memref<2x200x64xf32, #tpu.memory_space<vmem>>, vector<1x1x16xf32>,
        %swap3A_462 = vector.shape_cast %swap3A_461 : vector<1x1x16xf32> to vector<16xf32>
        %swap3A_463 = vector.shape_cast %add3A_456 : vector<16xf32> to vector<1x1x16xf32>
        tpu.vector_store %arg7[%swap3A_458, %swap3A_459, %swap3A_460], %swap3A_463 {strides = array<i32>} : memref<2x200x64xf32, #tpu.memory_space<vmem>>, vector<1x1x16xf32>,
        %get3A_464 = arith.constant 1 : i32
        %get3A_465 = arith.index_cast %get3A_464 : i32 to index
        %get3A_466 = arith.index_cast %add3A_429 : i32 to index
        %get3A_467 = arith.constant 32 : index
        %get3A_468 = tpu.vector_load %arg7[%get3A_465, %get3A_466, %get3A_467] {strides = array<i32>} : memref<2x200x64xf32, #tpu.memory_space<vmem>>, vector<1x1x16xf32>,
        %get3A_469 = vector.shape_cast %get3A_468 : vector<1x1x16xf32> to vector<16xf32>
        %get3A_470 = arith.index_cast %add3A_429 : i32 to index
        %get3A_471 = arith.constant 32 : index
        %get3A_472 = tpu.vector_load %arg8[%get3A_470, %get3A_471] {strides = array<i32>} : memref<200x64xf32, #tpu.memory_space<vmem>>, vector<1x16xf32>,
        %get3A_473 = vector.shape_cast %get3A_472 : vector<1x16xf32> to vector<16xf32>
        %add3A_474 = arith.addf %get3A_469, %get3A_473 : vector<16xf32>
        %swap3A_475 = arith.constant 1 : i32
        %swap3A_476 = arith.index_cast %swap3A_475 : i32 to index
        %swap3A_477 = arith.index_cast %add3A_429 : i32 to index
        %swap3A_478 = arith.constant 32 : index
        %swap3A_479 = tpu.vector_load %arg7[%swap3A_476, %swap3A_477, %swap3A_478] {strides = array<i32>} : memref<2x200x64xf32, #tpu.memory_space<vmem>>, vector<1x1x16xf32>,
        %swap3A_480 = vector.shape_cast %swap3A_479 : vector<1x1x16xf32> to vector<16xf32>
        %swap3A_481 = vector.shape_cast %add3A_474 : vector<16xf32> to vector<1x1x16xf32>
        tpu.vector_store %arg7[%swap3A_476, %swap3A_477, %swap3A_478], %swap3A_481 {strides = array<i32>} : memref<2x200x64xf32, #tpu.memory_space<vmem>>, vector<1x1x16xf32>,
        %get3A_482 = arith.constant 1 : i32
        %get3A_483 = arith.index_cast %get3A_482 : i32 to index
        %get3A_484 = arith.index_cast %add3A_429 : i32 to index
        %get3A_485 = arith.constant 48 : index
        %get3A_486 = tpu.vector_load %arg7[%get3A_483, %get3A_484, %get3A_485] {strides = array<i32>} : memref<2x200x64xf32, #tpu.memory_space<vmem>>, vector<1x1x16xf32>,
        %get3A_487 = vector.shape_cast %get3A_486 : vector<1x1x16xf32> to vector<16xf32>
        %get3A_488 = arith.index_cast %add3A_429 : i32 to index
        %get3A_489 = arith.constant 48 : index
        %get3A_490 = tpu.vector_load %arg8[%get3A_488, %get3A_489] {strides = array<i32>} : memref<200x64xf32, #tpu.memory_space<vmem>>, vector<1x16xf32>,
        %get3A_491 = vector.shape_cast %get3A_490 : vector<1x16xf32> to vector<16xf32>
        %add3A_492 = arith.addf %get3A_487, %get3A_491 : vector<16xf32>
        %swap3A_493 = arith.constant 1 : i32
        %swap3A_494 = arith.index_cast %swap3A_493 : i32 to index
        %swap3A_495 = arith.index_cast %add3A_429 : i32 to index
        %swap3A_496 = arith.constant 48 : index
        %swap3A_497 = tpu.vector_load %arg7[%swap3A_494, %swap3A_495, %swap3A_496] {strides = array<i32>} : memref<2x200x64xf32, #tpu.memory_space<vmem>>, vector<1x1x16xf32>,
        %swap3A_498 = vector.shape_cast %swap3A_497 : vector<1x1x16xf32> to vector<16xf32>
        %swap3A_499 = vector.shape_cast %add3A_492 : vector<16xf32> to vector<1x1x16xf32>
        tpu.vector_store %arg7[%swap3A_494, %swap3A_495, %swap3A_496], %swap3A_499 {strides = array<i32>} : memref<2x200x64xf32, #tpu.memory_space<vmem>>, vector<1x1x16xf32>,
      }
      %scan3A_281 = arith.constant 200 : i32
      %add3A_282 = arith.constant 1 : i32
      %add3A_283 = arith.addi %add3A_208, %add3A_282 : i32
      %add3A_284 = arith.addi %mul3A_2, %add3A_283 : i32
      %dma_start3A_285 = arith.constant 1 : i32
      %dma_start3A_286 = arith.constant 1 : i32
      %dma_start3A_287 = arith.constant 0 : i32
      %dma_start3A_288 = arith.constant 0 : i32
      %dma_start3A_289 = tpu.memref_slice %arg7[%dma_start3A_285, %dma_start3A_287, %dma_start3A_288] : memref<2x200x64xf32, #tpu.memory_space<vmem>> -> memref<1x200x64xf32, #tpu.memory_space<vmem>>
      %dma_start3A_290 = tpu.memref_squeeze %dma_start3A_289 : memref<1x200x64xf32, #tpu.memory_space<vmem>> -> memref<200x64xf32, #tpu.memory_space<vmem>>
      %dma_start3A_291 = arith.constant 0 : i32
      %dma_start3A_292 = arith.constant 0 : i32
      %dma_start3A_293 = tpu.memref_slice %arg5[%add3A_284, %dma_start3A_291, %dma_start3A_292] : memref<4096x200x64xf32, #tpu.memory_space<hbm>> -> memref<1x200x64xf32, #tpu.memory_space<hbm>>
      %dma_start3A_294 = tpu.memref_squeeze %dma_start3A_293 : memref<1x200x64xf32, #tpu.memory_space<hbm>> -> memref<200x64xf32, #tpu.memory_space<hbm>>
      %dma_start3A_295 = tpu.memref_slice %arg10[%dma_start3A_286] : memref<2x!tpu.dma_semaphore, #tpu.memory_space<semaphore_mem>> -> memref<1x!tpu.dma_semaphore, #tpu.memory_space<semaphore_mem>>
      %dma_start3A_296 = tpu.memref_squeeze %dma_start3A_295 : memref<1x!tpu.dma_semaphore, #tpu.memory_space<semaphore_mem>> -> memref<!tpu.dma_semaphore, #tpu.memory_space<semaphore_mem>>
      %dma_start3A_297 = arith.constant 0 : i32
      %dma_start3A_298 = arith.constant 0 : i32
      %dma_start3A_299 = tpu.memref_slice %arg5[%add3A_284, %dma_start3A_297, %dma_start3A_298] : memref<4096x200x64xf32, #tpu.memory_space<hbm>> -> memref<1x200x64xf32, #tpu.memory_space<hbm>>
      %dma_start3A_300 = tpu.memref_squeeze %dma_start3A_299 : memref<1x200x64xf32, #tpu.memory_space<hbm>> -> memref<200x64xf32, #tpu.memory_space<hbm>>
      %dma_start3A_301 = arith.constant 0 : i32
      %dma_start3A_302 = arith.constant 0 : i32
      %dma_start3A_303 = tpu.memref_slice %arg7[%dma_start3A_285, %dma_start3A_301, %dma_start3A_302] : memref<2x200x64xf32, #tpu.memory_space<vmem>> -> memref<1x200x64xf32, #tpu.memory_space<vmem>>
      %dma_start3A_304 = tpu.memref_squeeze %dma_start3A_303 : memref<1x200x64xf32, #tpu.memory_space<vmem>> -> memref<200x64xf32, #tpu.memory_space<vmem>>
      tpu.enqueue_dma source(%dma_start3A_304 : memref<200x64xf32, #tpu.memory_space<vmem>>) target(%dma_start3A_300 : memref<200x64xf32, #tpu.memory_space<hbm>>) target_semaphore(%dma_start3A_296 : memref<!tpu.dma_semaphore, #tpu.memory_space<semaphore_mem>>)
      %add3A_305 = arith.constant 2 : i32
      %add3A_306 = arith.addi %add3A_208, %add3A_305 : i32
      %add3A_307 = arith.constant 0 : i32
      %add3A_308 = arith.addi %add3A_306, %add3A_307 : i32
      %add3A_309 = arith.addi %mul3A_2, %add3A_308 : i32
      %run_scoped3A_310 = arith.constant 0 : i32
      "tpu.region"() ({
        %run_scoped3A_425 = tpu.sem_alloc : memref<!tpu.dma_semaphore, #tpu.memory_space<semaphore_mem>>
        %dma_start3A_426 = arith.constant 0 : i32
        %dma_start3A_427 = tpu.memref_slice %arg6[%run_scoped3A_310, %dma_start3A_426] : memref<2x200xi32, #tpu.memory_space<vmem>> -> memref<1x200xi32, #tpu.memory_space<vmem>>
        %dma_start3A_428 = tpu.memref_squeeze %dma_start3A_427 : memref<1x200xi32, #tpu.memory_space<vmem>> -> memref<200xi32, #tpu.memory_space<vmem>>
        %dma_start3A_429 = arith.constant 0 : i32
        %dma_start3A_430 = tpu.memref_slice %arg3[%add3A_309, %dma_start3A_429] : memref<4096x200xi32, #tpu.memory_space<hbm>> -> memref<1x200xi32, #tpu.memory_space<hbm>>
        %dma_start3A_431 = tpu.memref_squeeze %dma_start3A_430 : memref<1x200xi32, #tpu.memory_space<hbm>> -> memref<200xi32, #tpu.memory_space<hbm>>
        %dma_start3A_432 = arith.constant 0 : i32
        %dma_start3A_433 = tpu.memref_slice %arg6[%run_scoped3A_310, %dma_start3A_432] : memref<2x200xi32, #tpu.memory_space<vmem>> -> memref<1x200xi32, #tpu.memory_space<vmem>>
        %dma_start3A_434 = tpu.memref_squeeze %dma_start3A_433 : memref<1x200xi32, #tpu.memory_space<vmem>> -> memref<200xi32, #tpu.memory_space<vmem>>
        %dma_start3A_435 = arith.constant 0 : i32
        %dma_start3A_436 = tpu.memref_slice %arg3[%add3A_309, %dma_start3A_435] : memref<4096x200xi32, #tpu.memory_space<hbm>> -> memref<1x200xi32, #tpu.memory_space<hbm>>
        %dma_start3A_437 = tpu.memref_squeeze %dma_start3A_436 : memref<1x200xi32, #tpu.memory_space<hbm>> -> memref<200xi32, #tpu.memory_space<hbm>>
        tpu.enqueue_dma source(%dma_start3A_437 : memref<200xi32, #tpu.memory_space<hbm>>) target(%dma_start3A_434 : memref<200xi32, #tpu.memory_space<vmem>>) target_semaphore(%run_scoped3A_425 : memref<!tpu.dma_semaphore, #tpu.memory_space<semaphore_mem>>)
        %dma_wait3A_438 = arith.constant 0 : i32
        %dma_wait3A_439 = tpu.memref_slice %arg6[%run_scoped3A_310, %dma_wait3A_438] : memref<2x200xi32, #tpu.memory_space<vmem>> -> memref<1x200xi32, #tpu.memory_space<vmem>>
        %dma_wait3A_440 = tpu.memref_squeeze %dma_wait3A_439 : memref<1x200xi32, #tpu.memory_space<vmem>> -> memref<200xi32, #tpu.memory_space<vmem>>
        %dma_wait3A_441 = arith.constant 0 : i32
        %dma_wait3A_442 = tpu.memref_slice %arg3[%add3A_309, %dma_wait3A_441] : memref<4096x200xi32, #tpu.memory_space<hbm>> -> memref<1x200xi32, #tpu.memory_space<hbm>>
        %dma_wait3A_443 = tpu.memref_squeeze %dma_wait3A_442 : memref<1x200xi32, #tpu.memory_space<hbm>> -> memref<200xi32, #tpu.memory_space<hbm>>
        %dma_wait3A_444 = arith.constant 0 : i32
        %dma_wait3A_445 = tpu.memref_slice %arg6[%run_scoped3A_310, %dma_wait3A_444] : memref<2x200xi32, #tpu.memory_space<vmem>> -> memref<1x200xi32, #tpu.memory_space<vmem>>
        %dma_wait3A_446 = tpu.memref_squeeze %dma_wait3A_445 : memref<1x200xi32, #tpu.memory_space<vmem>> -> memref<200xi32, #tpu.memory_space<vmem>>
        %dma_wait3A_447 = arith.constant 0 : i32
        %dma_wait3A_448 = tpu.memref_slice %arg3[%add3A_309, %dma_wait3A_447] : memref<4096x200xi32, #tpu.memory_space<hbm>> -> memref<1x200xi32, #tpu.memory_space<hbm>>
        %dma_wait3A_449 = tpu.memref_squeeze %dma_wait3A_448 : memref<1x200xi32, #tpu.memory_space<hbm>> -> memref<200xi32, #tpu.memory_space<hbm>>
        tpu.wait_dma2 semaphore(%run_scoped3A_425 : memref<!tpu.dma_semaphore, #tpu.memory_space<semaphore_mem>>) src(%dma_wait3A_449 : memref<200xi32, #tpu.memory_space<hbm>>) dst(%dma_wait3A_446 : memref<200xi32, #tpu.memory_space<vmem>>)
        tpu.yield
      }) : () -> ()
      %dma_wait3A_311 = arith.constant 0 : i32
      %dma_wait3A_312 = arith.constant 0 : i32
      %dma_wait3A_313 = arith.constant 0 : i32
      %dma_wait3A_314 = arith.constant 0 : i32
      %dma_wait3A_315 = tpu.memref_slice %arg7[%dma_wait3A_311, %dma_wait3A_313, %dma_wait3A_314] : memref<2x200x64xf32, #tpu.memory_space<vmem>> -> memref<1x200x64xf32, #tpu.memory_space<vmem>>
      %dma_wait3A_316 = tpu.memref_squeeze %dma_wait3A_315 : memref<1x200x64xf32, #tpu.memory_space<vmem>> -> memref<200x64xf32, #tpu.memory_space<vmem>>
      %dma_wait3A_317 = arith.constant 0 : i32
      %dma_wait3A_318 = arith.constant 0 : i32
      %dma_wait3A_319 = tpu.memref_slice %arg5[%mul3A_2, %dma_wait3A_317, %dma_wait3A_318] : memref<4096x200x64xf32, #tpu.memory_space<hbm>> -> memref<1x200x64xf32, #tpu.memory_space<hbm>>
      %dma_wait3A_320 = tpu.memref_squeeze %dma_wait3A_319 : memref<1x200x64xf32, #tpu.memory_space<hbm>> -> memref<200x64xf32, #tpu.memory_space<hbm>>
      %dma_wait3A_321 = tpu.memref_slice %arg10[%dma_wait3A_312] : memref<2x!tpu.dma_semaphore, #tpu.memory_space<semaphore_mem>> -> memref<1x!tpu.dma_semaphore, #tpu.memory_space<semaphore_mem>>
      %dma_wait3A_322 = tpu.memref_squeeze %dma_wait3A_321 : memref<1x!tpu.dma_semaphore, #tpu.memory_space<semaphore_mem>> -> memref<!tpu.dma_semaphore, #tpu.memory_space<semaphore_mem>>
      %dma_wait3A_323 = arith.constant 0 : i32
      %dma_wait3A_324 = arith.constant 0 : i32
      %dma_wait3A_325 = tpu.memref_slice %arg5[%mul3A_2, %dma_wait3A_323, %dma_wait3A_324] : memref<4096x200x64xf32, #tpu.memory_space<hbm>> -> memref<1x200x64xf32, #tpu.memory_space<hbm>>
      %dma_wait3A_326 = tpu.memref_squeeze %dma_wait3A_325 : memref<1x200x64xf32, #tpu.memory_space<hbm>> -> memref<200x64xf32, #tpu.memory_space<hbm>>
      %dma_wait3A_327 = arith.constant 0 : i32
      %dma_wait3A_328 = arith.constant 0 : i32
      %dma_wait3A_329 = tpu.memref_slice %arg7[%dma_wait3A_311, %dma_wait3A_327, %dma_wait3A_328] : memref<2x200x64xf32, #tpu.memory_space<vmem>> -> memref<1x200x64xf32, #tpu.memory_space<vmem>>
      %dma_wait3A_330 = tpu.memref_squeeze %dma_wait3A_329 : memref<1x200x64xf32, #tpu.memory_space<vmem>> -> memref<200x64xf32, #tpu.memory_space<vmem>>
      tpu.wait_dma2 semaphore(%dma_wait3A_322 : memref<!tpu.dma_semaphore, #tpu.memory_space<semaphore_mem>>) src(%dma_wait3A_330 : memref<200x64xf32, #tpu.memory_space<vmem>>) dst(%dma_wait3A_326 : memref<200x64xf32, #tpu.memory_space<hbm>>)
      %add3A_331 = arith.constant 2 : i32
      %add3A_332 = arith.addi %add3A_208, %add3A_331 : i32
      %add3A_333 = arith.constant 0 : i32
      %add3A_334 = arith.addi %add3A_332, %add3A_333 : i32
      %dma_start3A_335 = arith.constant 0 : i32
      %dma_start3A_336 = arith.constant 0 : i32
      %dma_start3A_337 = arith.constant 0 : i32
      %dma_start3A_338 = arith.constant 0 : i32
      %dma_start3A_339 = arith.constant 0 : i32
      %dma_start3A_340 = tpu.memref_slice %arg7[%dma_start3A_336, %dma_start3A_338, %dma_start3A_339] : memref<2x200x64xf32, #tpu.memory_space<vmem>> -> memref<1x104x64xf32, #tpu.memory_space<vmem>>
      %dma_start3A_341 = tpu.memref_squeeze %dma_start3A_340 : memref<1x104x64xf32, #tpu.memory_space<vmem>> -> memref<104x64xf32, #tpu.memory_space<vmem>>
      %dma_start3A_342 = arith.constant 0 : i32
      %dma_start3A_343 = tpu.memref_slice %arg6[%dma_start3A_335, %dma_start3A_342] : memref<2x200xi32, #tpu.memory_space<vmem>> -> memref<1x104xi32, #tpu.memory_space<vmem>>
      %dma_start3A_344 = tpu.memref_squeeze %dma_start3A_343 : memref<1x104xi32, #tpu.memory_space<vmem>> -> memref<104xi32, #tpu.memory_space<vmem>>
      %dma_start3A_345 = arith.constant 0 : i32
      %dma_start3A_346 = arith.constant 0 : i32
      %dma_start3A_347 = tpu.memref_slice %arg2[%dma_start3A_345, %dma_start3A_346] : memref<100000x64xf32, #tpu.memory_space<hbm>> -> memref<100000x64xf32, #tpu.memory_space<hbm>>
      %dma_start3A_348 = tpu.memref_slice %arg9[%dma_start3A_337] : memref<2x!tpu.dma_semaphore, #tpu.memory_space<semaphore_mem>> -> memref<1x!tpu.dma_semaphore, #tpu.memory_space<semaphore_mem>>
      %dma_start3A_349 = tpu.memref_squeeze %dma_start3A_348 : memref<1x!tpu.dma_semaphore, #tpu.memory_space<semaphore_mem>> -> memref<!tpu.dma_semaphore, #tpu.memory_space<semaphore_mem>>
      tpu.enqueue_indirect_dma source(%dma_start3A_347 : memref<100000x64xf32, #tpu.memory_space<hbm>>) target(%dma_start3A_341 : memref<104x64xf32, #tpu.memory_space<vmem>>) offsets(%dma_start3A_344 : memref<104xi32, #tpu.memory_space<vmem>>) semaphore(%dma_start3A_349 : memref<!tpu.dma_semaphore, #tpu.memory_space<semaphore_mem>>)
      %dma_start3A_350 = arith.constant 0 : i32
      %dma_start3A_351 = arith.constant 0 : i32
      %dma_start3A_352 = arith.constant 0 : i32
      %dma_start3A_353 = arith.constant 104 : i32
      %dma_start3A_354 = arith.constant 0 : i32
      %dma_start3A_355 = tpu.memref_slice %arg7[%dma_start3A_351, %dma_start3A_353, %dma_start3A_354] : memref<2x200x64xf32, #tpu.memory_space<vmem>> -> memref<1x96x64xf32, #tpu.memory_space<vmem>>
      %dma_start3A_356 = tpu.memref_squeeze %dma_start3A_355 : memref<1x96x64xf32, #tpu.memory_space<vmem>> -> memref<96x64xf32, #tpu.memory_space<vmem>>
      %dma_start3A_357 = arith.constant 104 : i32
      %dma_start3A_358 = tpu.memref_slice %arg6[%dma_start3A_350, %dma_start3A_357] : memref<2x200xi32, #tpu.memory_space<vmem>> -> memref<1x96xi32, #tpu.memory_space<vmem>>
      %dma_start3A_359 = tpu.memref_squeeze %dma_start3A_358 : memref<1x96xi32, #tpu.memory_space<vmem>> -> memref<96xi32, #tpu.memory_space<vmem>>
      %dma_start3A_360 = arith.constant 0 : i32
      %dma_start3A_361 = arith.constant 0 : i32
      %dma_start3A_362 = tpu.memref_slice %arg2[%dma_start3A_360, %dma_start3A_361] : memref<100000x64xf32, #tpu.memory_space<hbm>> -> memref<100000x64xf32, #tpu.memory_space<hbm>>
      %dma_start3A_363 = tpu.memref_slice %arg9[%dma_start3A_352] : memref<2x!tpu.dma_semaphore, #tpu.memory_space<semaphore_mem>> -> memref<1x!tpu.dma_semaphore, #tpu.memory_space<semaphore_mem>>
      %dma_start3A_364 = tpu.memref_squeeze %dma_start3A_363 : memref<1x!tpu.dma_semaphore, #tpu.memory_space<semaphore_mem>> -> memref<!tpu.dma_semaphore, #tpu.memory_space<semaphore_mem>>
      tpu.enqueue_indirect_dma source(%dma_start3A_362 : memref<100000x64xf32, #tpu.memory_space<hbm>>) target(%dma_start3A_356 : memref<96x64xf32, #tpu.memory_space<vmem>>) offsets(%dma_start3A_359 : memref<96xi32, #tpu.memory_space<vmem>>) semaphore(%dma_start3A_364 : memref<!tpu.dma_semaphore, #tpu.memory_space<semaphore_mem>>)
      %add3A_365 = arith.constant 2 : i32
      %add3A_366 = arith.addi %add3A_208, %add3A_365 : i32
      %add3A_367 = arith.constant 1 : i32
      %add3A_368 = arith.addi %add3A_366, %add3A_367 : i32
      %add3A_369 = arith.addi %mul3A_2, %add3A_368 : i32
      %run_scoped3A_370 = arith.constant 1 : i32
      "tpu.region"() ({
        %run_scoped3A_425 = tpu.sem_alloc : memref<!tpu.dma_semaphore, #tpu.memory_space<semaphore_mem>>
        %dma_start3A_426 = arith.constant 0 : i32
        %dma_start3A_427 = tpu.memref_slice %arg6[%run_scoped3A_370, %dma_start3A_426] : memref<2x200xi32, #tpu.memory_space<vmem>> -> memref<1x200xi32, #tpu.memory_space<vmem>>
        %dma_start3A_428 = tpu.memref_squeeze %dma_start3A_427 : memref<1x200xi32, #tpu.memory_space<vmem>> -> memref<200xi32, #tpu.memory_space<vmem>>
        %dma_start3A_429 = arith.constant 0 : i32
        %dma_start3A_430 = tpu.memref_slice %arg3[%add3A_369, %dma_start3A_429] : memref<4096x200xi32, #tpu.memory_space<hbm>> -> memref<1x200xi32, #tpu.memory_space<hbm>>
        %dma_start3A_431 = tpu.memref_squeeze %dma_start3A_430 : memref<1x200xi32, #tpu.memory_space<hbm>> -> memref<200xi32, #tpu.memory_space<hbm>>
        %dma_start3A_432 = arith.constant 0 : i32
        %dma_start3A_433 = tpu.memref_slice %arg6[%run_scoped3A_370, %dma_start3A_432] : memref<2x200xi32, #tpu.memory_space<vmem>> -> memref<1x200xi32, #tpu.memory_space<vmem>>
        %dma_start3A_434 = tpu.memref_squeeze %dma_start3A_433 : memref<1x200xi32, #tpu.memory_space<vmem>> -> memref<200xi32, #tpu.memory_space<vmem>>
        %dma_start3A_435 = arith.constant 0 : i32
        %dma_start3A_436 = tpu.memref_slice %arg3[%add3A_369, %dma_start3A_435] : memref<4096x200xi32, #tpu.memory_space<hbm>> -> memref<1x200xi32, #tpu.memory_space<hbm>>
        %dma_start3A_437 = tpu.memref_squeeze %dma_start3A_436 : memref<1x200xi32, #tpu.memory_space<hbm>> -> memref<200xi32, #tpu.memory_space<hbm>>
        tpu.enqueue_dma source(%dma_start3A_437 : memref<200xi32, #tpu.memory_space<hbm>>) target(%dma_start3A_434 : memref<200xi32, #tpu.memory_space<vmem>>) target_semaphore(%run_scoped3A_425 : memref<!tpu.dma_semaphore, #tpu.memory_space<semaphore_mem>>)
        %dma_wait3A_438 = arith.constant 0 : i32
        %dma_wait3A_439 = tpu.memref_slice %arg6[%run_scoped3A_370, %dma_wait3A_438] : memref<2x200xi32, #tpu.memory_space<vmem>> -> memref<1x200xi32, #tpu.memory_space<vmem>>
        %dma_wait3A_440 = tpu.memref_squeeze %dma_wait3A_439 : memref<1x200xi32, #tpu.memory_space<vmem>> -> memref<200xi32, #tpu.memory_space<vmem>>
        %dma_wait3A_441 = arith.constant 0 : i32
        %dma_wait3A_442 = tpu.memref_slice %arg3[%add3A_369, %dma_wait3A_441] : memref<4096x200xi32, #tpu.memory_space<hbm>> -> memref<1x200xi32, #tpu.memory_space<hbm>>
        %dma_wait3A_443 = tpu.memref_squeeze %dma_wait3A_442 : memref<1x200xi32, #tpu.memory_space<hbm>> -> memref<200xi32, #tpu.memory_space<hbm>>
        %dma_wait3A_444 = arith.constant 0 : i32
        %dma_wait3A_445 = tpu.memref_slice %arg6[%run_scoped3A_370, %dma_wait3A_444] : memref<2x200xi32, #tpu.memory_space<vmem>> -> memref<1x200xi32, #tpu.memory_space<vmem>>
        %dma_wait3A_446 = tpu.memref_squeeze %dma_wait3A_445 : memref<1x200xi32, #tpu.memory_space<vmem>> -> memref<200xi32, #tpu.memory_space<vmem>>
        %dma_wait3A_447 = arith.constant 0 : i32
        %dma_wait3A_448 = tpu.memref_slice %arg3[%add3A_369, %dma_wait3A_447] : memref<4096x200xi32, #tpu.memory_space<hbm>> -> memref<1x200xi32, #tpu.memory_space<hbm>>
        %dma_wait3A_449 = tpu.memref_squeeze %dma_wait3A_448 : memref<1x200xi32, #tpu.memory_space<hbm>> -> memref<200xi32, #tpu.memory_space<hbm>>
        tpu.wait_dma2 semaphore(%run_scoped3A_425 : memref<!tpu.dma_semaphore, #tpu.memory_space<semaphore_mem>>) src(%dma_wait3A_449 : memref<200xi32, #tpu.memory_space<hbm>>) dst(%dma_wait3A_446 : memref<200xi32, #tpu.memory_space<vmem>>)
        tpu.yield
      }) : () -> ()
      %dma_wait3A_371 = arith.constant 1 : i32
      %dma_wait3A_372 = arith.constant 1 : i32
      %dma_wait3A_373 = arith.constant 0 : i32
      %dma_wait3A_374 = arith.constant 0 : i32
      %dma_wait3A_375 = tpu.memref_slice %arg7[%dma_wait3A_371, %dma_wait3A_373, %dma_wait3A_374] : memref<2x200x64xf32, #tpu.memory_space<vmem>> -> memref<1x200x64xf32, #tpu.memory_space<vmem>>
      %dma_wait3A_376 = tpu.memref_squeeze %dma_wait3A_375 : memref<1x200x64xf32, #tpu.memory_space<vmem>> -> memref<200x64xf32, #tpu.memory_space<vmem>>
      %dma_wait3A_377 = arith.constant 0 : i32
      %dma_wait3A_378 = arith.constant 0 : i32
      %dma_wait3A_379 = tpu.memref_slice %arg5[%mul3A_2, %dma_wait3A_377, %dma_wait3A_378] : memref<4096x200x64xf32, #tpu.memory_space<hbm>> -> memref<1x200x64xf32, #tpu.memory_space<hbm>>
      %dma_wait3A_380 = tpu.memref_squeeze %dma_wait3A_379 : memref<1x200x64xf32, #tpu.memory_space<hbm>> -> memref<200x64xf32, #tpu.memory_space<hbm>>
      %dma_wait3A_381 = tpu.memref_slice %arg10[%dma_wait3A_372] : memref<2x!tpu.dma_semaphore, #tpu.memory_space<semaphore_mem>> -> memref<1x!tpu.dma_semaphore, #tpu.memory_space<semaphore_mem>>
      %dma_wait3A_382 = tpu.memref_squeeze %dma_wait3A_381 : memref<1x!tpu.dma_semaphore, #tpu.memory_space<semaphore_mem>> -> memref<!tpu.dma_semaphore, #tpu.memory_space<semaphore_mem>>
      %dma_wait3A_383 = arith.constant 0 : i32
      %dma_wait3A_384 = arith.constant 0 : i32
      %dma_wait3A_385 = tpu.memref_slice %arg5[%mul3A_2, %dma_wait3A_383, %dma_wait3A_384] : memref<4096x200x64xf32, #tpu.memory_space<hbm>> -> memref<1x200x64xf32, #tpu.memory_space<hbm>>
      %dma_wait3A_386 = tpu.memref_squeeze %dma_wait3A_385 : memref<1x200x64xf32, #tpu.memory_space<hbm>> -> memref<200x64xf32, #tpu.memory_space<hbm>>
      %dma_wait3A_387 = arith.constant 0 : i32
      %dma_wait3A_388 = arith.constant 0 : i32
      %dma_wait3A_389 = tpu.memref_slice %arg7[%dma_wait3A_371, %dma_wait3A_387, %dma_wait3A_388] : memref<2x200x64xf32, #tpu.memory_space<vmem>> -> memref<1x200x64xf32, #tpu.memory_space<vmem>>
      %dma_wait3A_390 = tpu.memref_squeeze %dma_wait3A_389 : memref<1x200x64xf32, #tpu.memory_space<vmem>> -> memref<200x64xf32, #tpu.memory_space<vmem>>
      tpu.wait_dma2 semaphore(%dma_wait3A_382 : memref<!tpu.dma_semaphore, #tpu.memory_space<semaphore_mem>>) src(%dma_wait3A_390 : memref<200x64xf32, #tpu.memory_space<vmem>>) dst(%dma_wait3A_386 : memref<200x64xf32, #tpu.memory_space<hbm>>)
      %add3A_391 = arith.constant 2 : i32
      %add3A_392 = arith.addi %add3A_208, %add3A_391 : i32
      %add3A_393 = arith.constant 1 : i32
      %add3A_394 = arith.addi %add3A_392, %add3A_393 : i32
      %dma_start3A_395 = arith.constant 1 : i32
      %dma_start3A_396 = arith.constant 1 : i32
      %dma_start3A_397 = arith.constant 1 : i32
      %dma_start3A_398 = arith.constant 0 : i32
      %dma_start3A_399 = arith.constant 0 : i32
      %dma_start3A_400 = tpu.memref_slice %arg7[%dma_start3A_396, %dma_start3A_398, %dma_start3A_399] : memref<2x200x64xf32, #tpu.memory_space<vmem>> -> memref<1x104x64xf32, #tpu.memory_space<vmem>>
      %dma_start3A_401 = tpu.memref_squeeze %dma_start3A_400 : memref<1x104x64xf32, #tpu.memory_space<vmem>> -> memref<104x64xf32, #tpu.memory_space<vmem>>
      %dma_start3A_402 = arith.constant 0 : i32
      %dma_start3A_403 = tpu.memref_slice %arg6[%dma_start3A_395, %dma_start3A_402] : memref<2x200xi32, #tpu.memory_space<vmem>> -> memref<1x104xi32, #tpu.memory_space<vmem>>
      %dma_start3A_404 = tpu.memref_squeeze %dma_start3A_403 : memref<1x104xi32, #tpu.memory_space<vmem>> -> memref<104xi32, #tpu.memory_space<vmem>>
      %dma_start3A_405 = arith.constant 0 : i32
      %dma_start3A_406 = arith.constant 0 : i32
      %dma_start3A_407 = tpu.memref_slice %arg2[%dma_start3A_405, %dma_start3A_406] : memref<100000x64xf32, #tpu.memory_space<hbm>> -> memref<100000x64xf32, #tpu.memory_space<hbm>>
      %dma_start3A_408 = tpu.memref_slice %arg9[%dma_start3A_397] : memref<2x!tpu.dma_semaphore, #tpu.memory_space<semaphore_mem>> -> memref<1x!tpu.dma_semaphore, #tpu.memory_space<semaphore_mem>>
      %dma_start3A_409 = tpu.memref_squeeze %dma_start3A_408 : memref<1x!tpu.dma_semaphore, #tpu.memory_space<semaphore_mem>> -> memref<!tpu.dma_semaphore, #tpu.memory_space<semaphore_mem>>
      tpu.enqueue_indirect_dma source(%dma_start3A_407 : memref<100000x64xf32, #tpu.memory_space<hbm>>) target(%dma_start3A_401 : memref<104x64xf32, #tpu.memory_space<vmem>>) offsets(%dma_start3A_404 : memref<104xi32, #tpu.memory_space<vmem>>) semaphore(%dma_start3A_409 : memref<!tpu.dma_semaphore, #tpu.memory_space<semaphore_mem>>)
      %dma_start3A_410 = arith.constant 1 : i32
      %dma_start3A_411 = arith.constant 1 : i32
      %dma_start3A_412 = arith.constant 1 : i32
      %dma_start3A_413 = arith.constant 104 : i32
      %dma_start3A_414 = arith.constant 0 : i32
      %dma_start3A_415 = tpu.memref_slice %arg7[%dma_start3A_411, %dma_start3A_413, %dma_start3A_414] : memref<2x200x64xf32, #tpu.memory_space<vmem>> -> memref<1x96x64xf32, #tpu.memory_space<vmem>>
      %dma_start3A_416 = tpu.memref_squeeze %dma_start3A_415 : memref<1x96x64xf32, #tpu.memory_space<vmem>> -> memref<96x64xf32, #tpu.memory_space<vmem>>
      %dma_start3A_417 = arith.constant 104 : i32
      %dma_start3A_418 = tpu.memref_slice %arg6[%dma_start3A_410, %dma_start3A_417] : memref<2x200xi32, #tpu.memory_space<vmem>> -> memref<1x96xi32, #tpu.memory_space<vmem>>
      %dma_start3A_419 = tpu.memref_squeeze %dma_start3A_418 : memref<1x96xi32, #tpu.memory_space<vmem>> -> memref<96xi32, #tpu.memory_space<vmem>>
      %dma_start3A_420 = arith.constant 0 : i32
      %dma_start3A_421 = arith.constant 0 : i32
      %dma_start3A_422 = tpu.memref_slice %arg2[%dma_start3A_420, %dma_start3A_421] : memref<100000x64xf32, #tpu.memory_space<hbm>> -> memref<100000x64xf32, #tpu.memory_space<hbm>>
      %dma_start3A_423 = tpu.memref_slice %arg9[%dma_start3A_412] : memref<2x!tpu.dma_semaphore, #tpu.memory_space<semaphore_mem>> -> memref<1x!tpu.dma_semaphore, #tpu.memory_space<semaphore_mem>>
      %dma_start3A_424 = tpu.memref_squeeze %dma_start3A_423 : memref<1x!tpu.dma_semaphore, #tpu.memory_space<semaphore_mem>> -> memref<!tpu.dma_semaphore, #tpu.memory_space<semaphore_mem>>
      tpu.enqueue_indirect_dma source(%dma_start3A_422 : memref<100000x64xf32, #tpu.memory_space<hbm>>) target(%dma_start3A_416 : memref<96x64xf32, #tpu.memory_space<vmem>>) offsets(%dma_start3A_419 : memref<96xi32, #tpu.memory_space<vmem>>) semaphore(%dma_start3A_424 : memref<!tpu.dma_semaphore, #tpu.memory_space<semaphore_mem>>)
    }
    %scan3A_70 = arith.constant 63 : i32
    %dma_wait3A = arith.constant 0 : i32
    %dma_wait3A_71 = arith.constant 0 : i32
    %dma_wait3A_72 = arith.constant 0 : i32
    %dma_wait3A_73 = arith.constant 0 : i32
    %dma_wait3A_74 = tpu.memref_slice %arg7[%dma_wait3A, %dma_wait3A_72, %dma_wait3A_73] : memref<2x200x64xf32, #tpu.memory_space<vmem>> -> memref<1x200x64xf32, #tpu.memory_space<vmem>>
    %dma_wait3A_75 = tpu.memref_squeeze %dma_wait3A_74 : memref<1x200x64xf32, #tpu.memory_space<vmem>> -> memref<200x64xf32, #tpu.memory_space<vmem>>
    %dma_wait3A_76 = arith.constant 0 : i32
    %dma_wait3A_77 = arith.constant 0 : i32
    %dma_wait3A_78 = tpu.memref_slice %arg5[%mul3A_2, %dma_wait3A_76, %dma_wait3A_77] : memref<4096x200x64xf32, #tpu.memory_space<hbm>> -> memref<1x200x64xf32, #tpu.memory_space<hbm>>
    %dma_wait3A_79 = tpu.memref_squeeze %dma_wait3A_78 : memref<1x200x64xf32, #tpu.memory_space<hbm>> -> memref<200x64xf32, #tpu.memory_space<hbm>>
    %dma_wait3A_80 = tpu.memref_slice %arg9[%dma_wait3A_71] : memref<2x!tpu.dma_semaphore, #tpu.memory_space<semaphore_mem>> -> memref<1x!tpu.dma_semaphore, #tpu.memory_space<semaphore_mem>>
    %dma_wait3A_81 = tpu.memref_squeeze %dma_wait3A_80 : memref<1x!tpu.dma_semaphore, #tpu.memory_space<semaphore_mem>> -> memref<!tpu.dma_semaphore, #tpu.memory_space<semaphore_mem>>
    %dma_wait3A_82 = arith.constant 0 : i32
    %dma_wait3A_83 = arith.constant 0 : i32
    %dma_wait3A_84 = tpu.memref_slice %arg7[%dma_wait3A, %dma_wait3A_82, %dma_wait3A_83] : memref<2x200x64xf32, #tpu.memory_space<vmem>> -> memref<1x200x64xf32, #tpu.memory_space<vmem>>
    %dma_wait3A_85 = tpu.memref_squeeze %dma_wait3A_84 : memref<1x200x64xf32, #tpu.memory_space<vmem>> -> memref<200x64xf32, #tpu.memory_space<vmem>>
    %dma_wait3A_86 = arith.constant 0 : i32
    %dma_wait3A_87 = arith.constant 0 : i32
    %dma_wait3A_88 = tpu.memref_slice %arg5[%mul3A_2, %dma_wait3A_86, %dma_wait3A_87] : memref<4096x200x64xf32, #tpu.memory_space<hbm>> -> memref<1x200x64xf32, #tpu.memory_space<hbm>>
    %dma_wait3A_89 = tpu.memref_squeeze %dma_wait3A_88 : memref<1x200x64xf32, #tpu.memory_space<hbm>> -> memref<200x64xf32, #tpu.memory_space<hbm>>
    tpu.wait_dma2 semaphore(%dma_wait3A_81 : memref<!tpu.dma_semaphore, #tpu.memory_space<semaphore_mem>>) src(%dma_wait3A_89 : memref<200x64xf32, #tpu.memory_space<hbm>>) dst(%dma_wait3A_85 : memref<200x64xf32, #tpu.memory_space<vmem>>)
    %scan3A_90 = arith.constant 0 : i32
    %scan3A_91 = arith.constant 200 : i32
    %scan3A_92 = arith.addi %scan3A_90, %scan3A_91 : i32
    %scan3A_93 = arith.constant 1 : i32
    scf.for %scan3A_204 = %scan3A_90 to %scan3A_92 step %scan3A_93  : i32 {
      %mul3A_205 = arith.constant 1 : i32
      %mul3A_206 = arith.muli %scan3A_204, %mul3A_205 : i32
      %add3A_207 = arith.constant 0 : i32
      %add3A_208 = arith.addi %add3A_207, %mul3A_206 : i32
      %get3A = arith.constant 0 : i32
      %get3A_209 = arith.index_cast %get3A : i32 to index
      %get3A_210 = arith.index_cast %add3A_208 : i32 to index
      %get3A_211 = arith.constant 0 : index
      %get3A_212 = tpu.vector_load %arg7[%get3A_209, %get3A_210, %get3A_211] {strides = array<i32>} : memref<2x200x64xf32, #tpu.memory_space<vmem>>, vector<1x1x16xf32>,
      %get3A_213 = vector.shape_cast %get3A_212 : vector<1x1x16xf32> to vector<16xf32>
      %get3A_214 = arith.index_cast %add3A_208 : i32 to index
      %get3A_215 = arith.constant 0 : index
      %get3A_216 = tpu.vector_load %arg8[%get3A_214, %get3A_215] {strides = array<i32>} : memref<200x64xf32, #tpu.memory_space<vmem>>, vector<1x16xf32>,
      %get3A_217 = vector.shape_cast %get3A_216 : vector<1x16xf32> to vector<16xf32>
      %add3A_218 = arith.addf %get3A_213, %get3A_217 : vector<16xf32>
      %swap3A = arith.constant 0 : i32
      %swap3A_219 = arith.index_cast %swap3A : i32 to index
      %swap3A_220 = arith.index_cast %add3A_208 : i32 to index
      %swap3A_221 = arith.constant 0 : index
      %swap3A_222 = tpu.vector_load %arg7[%swap3A_219, %swap3A_220, %swap3A_221] {strides = array<i32>} : memref<2x200x64xf32, #tpu.memory_space<vmem>>, vector<1x1x16xf32>,
      %swap3A_223 = vector.shape_cast %swap3A_222 : vector<1x1x16xf32> to vector<16xf32>
      %swap3A_224 = vector.shape_cast %add3A_218 : vector<16xf32> to vector<1x1x16xf32>
      tpu.vector_store %arg7[%swap3A_219, %swap3A_220, %swap3A_221], %swap3A_224 {strides = array<i32>} : memref<2x200x64xf32, #tpu.memory_space<vmem>>, vector<1x1x16xf32>,
      %get3A_225 = arith.constant 0 : i32
      %get3A_226 = arith.index_cast %get3A_225 : i32 to index
      %get3A_227 = arith.index_cast %add3A_208 : i32 to index
      %get3A_228 = arith.constant 16 : index
      %get3A_229 = tpu.vector_load %arg7[%get3A_226, %get3A_227, %get3A_228] {strides = array<i32>} : memref<2x200x64xf32, #tpu.memory_space<vmem>>, vector<1x1x16xf32>,
      %get3A_230 = vector.shape_cast %get3A_229 : vector<1x1x16xf32> to vector<16xf32>
      %get3A_231 = arith.index_cast %add3A_208 : i32 to index
      %get3A_232 = arith.constant 16 : index
      %get3A_233 = tpu.vector_load %arg8[%get3A_231, %get3A_232] {strides = array<i32>} : memref<200x64xf32, #tpu.memory_space<vmem>>, vector<1x16xf32>,
      %get3A_234 = vector.shape_cast %get3A_233 : vector<1x16xf32> to vector<16xf32>
      %add3A_235 = arith.addf %get3A_230, %get3A_234 : vector<16xf32>
      %swap3A_236 = arith.constant 0 : i32
      %swap3A_237 = arith.index_cast %swap3A_236 : i32 to index
      %swap3A_238 = arith.index_cast %add3A_208 : i32 to index
      %swap3A_239 = arith.constant 16 : index
      %swap3A_240 = tpu.vector_load %arg7[%swap3A_237, %swap3A_238, %swap3A_239] {strides = array<i32>} : memref<2x200x64xf32, #tpu.memory_space<vmem>>, vector<1x1x16xf32>,
      %swap3A_241 = vector.shape_cast %swap3A_240 : vector<1x1x16xf32> to vector<16xf32>
      %swap3A_242 = vector.shape_cast %add3A_235 : vector<16xf32> to vector<1x1x16xf32>
      tpu.vector_store %arg7[%swap3A_237, %swap3A_238, %swap3A_239], %swap3A_242 {strides = array<i32>} : memref<2x200x64xf32, #tpu.memory_space<vmem>>, vector<1x1x16xf32>,
      %get3A_243 = arith.constant 0 : i32
      %get3A_244 = arith.index_cast %get3A_243 : i32 to index
      %get3A_245 = arith.index_cast %add3A_208 : i32 to index
      %get3A_246 = arith.constant 32 : index
      %get3A_247 = tpu.vector_load %arg7[%get3A_244, %get3A_245, %get3A_246] {strides = array<i32>} : memref<2x200x64xf32, #tpu.memory_space<vmem>>, vector<1x1x16xf32>,
      %get3A_248 = vector.shape_cast %get3A_247 : vector<1x1x16xf32> to vector<16xf32>
      %get3A_249 = arith.index_cast %add3A_208 : i32 to index
      %get3A_250 = arith.constant 32 : index
      %get3A_251 = tpu.vector_load %arg8[%get3A_249, %get3A_250] {strides = array<i32>} : memref<200x64xf32, #tpu.memory_space<vmem>>, vector<1x16xf32>,
      %get3A_252 = vector.shape_cast %get3A_251 : vector<1x16xf32> to vector<16xf32>
      %add3A_253 = arith.addf %get3A_248, %get3A_252 : vector<16xf32>
      %swap3A_254 = arith.constant 0 : i32
      %swap3A_255 = arith.index_cast %swap3A_254 : i32 to index
      %swap3A_256 = arith.index_cast %add3A_208 : i32 to index
      %swap3A_257 = arith.constant 32 : index
      %swap3A_258 = tpu.vector_load %arg7[%swap3A_255, %swap3A_256, %swap3A_257] {strides = array<i32>} : memref<2x200x64xf32, #tpu.memory_space<vmem>>, vector<1x1x16xf32>,
      %swap3A_259 = vector.shape_cast %swap3A_258 : vector<1x1x16xf32> to vector<16xf32>
      %swap3A_260 = vector.shape_cast %add3A_253 : vector<16xf32> to vector<1x1x16xf32>
      tpu.vector_store %arg7[%swap3A_255, %swap3A_256, %swap3A_257], %swap3A_260 {strides = array<i32>} : memref<2x200x64xf32, #tpu.memory_space<vmem>>, vector<1x1x16xf32>,
      %get3A_261 = arith.constant 0 : i32
      %get3A_262 = arith.index_cast %get3A_261 : i32 to index
      %get3A_263 = arith.index_cast %add3A_208 : i32 to index
      %get3A_264 = arith.constant 48 : index
      %get3A_265 = tpu.vector_load %arg7[%get3A_262, %get3A_263, %get3A_264] {strides = array<i32>} : memref<2x200x64xf32, #tpu.memory_space<vmem>>, vector<1x1x16xf32>,
      %get3A_266 = vector.shape_cast %get3A_265 : vector<1x1x16xf32> to vector<16xf32>
      %get3A_267 = arith.index_cast %add3A_208 : i32 to index
      %get3A_268 = arith.constant 48 : index
      %get3A_269 = tpu.vector_load %arg8[%get3A_267, %get3A_268] {strides = array<i32>} : memref<200x64xf32, #tpu.memory_space<vmem>>, vector<1x16xf32>,
      %get3A_270 = vector.shape_cast %get3A_269 : vector<1x16xf32> to vector<16xf32>
      %add3A_271 = arith.addf %get3A_266, %get3A_270 : vector<16xf32>
      %swap3A_272 = arith.constant 0 : i32
      %swap3A_273 = arith.index_cast %swap3A_272 : i32 to index
      %swap3A_274 = arith.index_cast %add3A_208 : i32 to index
      %swap3A_275 = arith.constant 48 : index
      %swap3A_276 = tpu.vector_load %arg7[%swap3A_273, %swap3A_274, %swap3A_275] {strides = array<i32>} : memref<2x200x64xf32, #tpu.memory_space<vmem>>, vector<1x1x16xf32>,
      %swap3A_277 = vector.shape_cast %swap3A_276 : vector<1x1x16xf32> to vector<16xf32>
      %swap3A_278 = vector.shape_cast %add3A_271 : vector<16xf32> to vector<1x1x16xf32>
      tpu.vector_store %arg7[%swap3A_273, %swap3A_274, %swap3A_275], %swap3A_278 {strides = array<i32>} : memref<2x200x64xf32, #tpu.memory_space<vmem>>, vector<1x1x16xf32>,
    }
    %scan3A_94 = arith.constant 200 : i32
    %add3A_95 = arith.constant 126 : i32
    %add3A_96 = arith.addi %mul3A_2, %add3A_95 : i32
    %dma_start3A_97 = arith.constant 0 : i32
    %dma_start3A_98 = arith.constant 0 : i32
    %dma_start3A_99 = arith.constant 0 : i32
    %dma_start3A_100 = arith.constant 0 : i32
    %dma_start3A_101 = tpu.memref_slice %arg7[%dma_start3A_97, %dma_start3A_99, %dma_start3A_100] : memref<2x200x64xf32, #tpu.memory_space<vmem>> -> memref<1x200x64xf32, #tpu.memory_space<vmem>>
    %dma_start3A_102 = tpu.memref_squeeze %dma_start3A_101 : memref<1x200x64xf32, #tpu.memory_space<vmem>> -> memref<200x64xf32, #tpu.memory_space<vmem>>
    %dma_start3A_103 = arith.constant 0 : i32
    %dma_start3A_104 = arith.constant 0 : i32
    %dma_start3A_105 = tpu.memref_slice %arg5[%add3A_96, %dma_start3A_103, %dma_start3A_104] : memref<4096x200x64xf32, #tpu.memory_space<hbm>> -> memref<1x200x64xf32, #tpu.memory_space<hbm>>
    %dma_start3A_106 = tpu.memref_squeeze %dma_start3A_105 : memref<1x200x64xf32, #tpu.memory_space<hbm>> -> memref<200x64xf32, #tpu.memory_space<hbm>>
    %dma_start3A_107 = tpu.memref_slice %arg10[%dma_start3A_98] : memref<2x!tpu.dma_semaphore, #tpu.memory_space<semaphore_mem>> -> memref<1x!tpu.dma_semaphore, #tpu.memory_space<semaphore_mem>>
    %dma_start3A_108 = tpu.memref_squeeze %dma_start3A_107 : memref<1x!tpu.dma_semaphore, #tpu.memory_space<semaphore_mem>> -> memref<!tpu.dma_semaphore, #tpu.memory_space<semaphore_mem>>
    %dma_start3A_109 = arith.constant 0 : i32
    %dma_start3A_110 = arith.constant 0 : i32
    %dma_start3A_111 = tpu.memref_slice %arg5[%add3A_96, %dma_start3A_109, %dma_start3A_110] : memref<4096x200x64xf32, #tpu.memory_space<hbm>> -> memref<1x200x64xf32, #tpu.memory_space<hbm>>
    %dma_start3A_112 = tpu.memref_squeeze %dma_start3A_111 : memref<1x200x64xf32, #tpu.memory_space<hbm>> -> memref<200x64xf32, #tpu.memory_space<hbm>>
    %dma_start3A_113 = arith.constant 0 : i32
    %dma_start3A_114 = arith.constant 0 : i32
    %dma_start3A_115 = tpu.memref_slice %arg7[%dma_start3A_97, %dma_start3A_113, %dma_start3A_114] : memref<2x200x64xf32, #tpu.memory_space<vmem>> -> memref<1x200x64xf32, #tpu.memory_space<vmem>>
    %dma_start3A_116 = tpu.memref_squeeze %dma_start3A_115 : memref<1x200x64xf32, #tpu.memory_space<vmem>> -> memref<200x64xf32, #tpu.memory_space<vmem>>
    tpu.enqueue_dma source(%dma_start3A_116 : memref<200x64xf32, #tpu.memory_space<vmem>>) target(%dma_start3A_112 : memref<200x64xf32, #tpu.memory_space<hbm>>) target_semaphore(%dma_start3A_108 : memref<!tpu.dma_semaphore, #tpu.memory_space<semaphore_mem>>)
    %dma_wait3A_117 = arith.constant 1 : i32
    %dma_wait3A_118 = arith.constant 1 : i32
    %dma_wait3A_119 = arith.constant 0 : i32
    %dma_wait3A_120 = arith.constant 0 : i32
    %dma_wait3A_121 = tpu.memref_slice %arg7[%dma_wait3A_117, %dma_wait3A_119, %dma_wait3A_120] : memref<2x200x64xf32, #tpu.memory_space<vmem>> -> memref<1x200x64xf32, #tpu.memory_space<vmem>>
    %dma_wait3A_122 = tpu.memref_squeeze %dma_wait3A_121 : memref<1x200x64xf32, #tpu.memory_space<vmem>> -> memref<200x64xf32, #tpu.memory_space<vmem>>
    %dma_wait3A_123 = arith.constant 0 : i32
    %dma_wait3A_124 = arith.constant 0 : i32
    %dma_wait3A_125 = tpu.memref_slice %arg5[%mul3A_2, %dma_wait3A_123, %dma_wait3A_124] : memref<4096x200x64xf32, #tpu.memory_space<hbm>> -> memref<1x200x64xf32, #tpu.memory_space<hbm>>
    %dma_wait3A_126 = tpu.memref_squeeze %dma_wait3A_125 : memref<1x200x64xf32, #tpu.memory_space<hbm>> -> memref<200x64xf32, #tpu.memory_space<hbm>>
    %dma_wait3A_127 = tpu.memref_slice %arg9[%dma_wait3A_118] : memref<2x!tpu.dma_semaphore, #tpu.memory_space<semaphore_mem>> -> memref<1x!tpu.dma_semaphore, #tpu.memory_space<semaphore_mem>>
    %dma_wait3A_128 = tpu.memref_squeeze %dma_wait3A_127 : memref<1x!tpu.dma_semaphore, #tpu.memory_space<semaphore_mem>> -> memref<!tpu.dma_semaphore, #tpu.memory_space<semaphore_mem>>
    %dma_wait3A_129 = arith.constant 0 : i32
    %dma_wait3A_130 = arith.constant 0 : i32
    %dma_wait3A_131 = tpu.memref_slice %arg7[%dma_wait3A_117, %dma_wait3A_129, %dma_wait3A_130] : memref<2x200x64xf32, #tpu.memory_space<vmem>> -> memref<1x200x64xf32, #tpu.memory_space<vmem>>
    %dma_wait3A_132 = tpu.memref_squeeze %dma_wait3A_131 : memref<1x200x64xf32, #tpu.memory_space<vmem>> -> memref<200x64xf32, #tpu.memory_space<vmem>>
    %dma_wait3A_133 = arith.constant 0 : i32
    %dma_wait3A_134 = arith.constant 0 : i32
    %dma_wait3A_135 = tpu.memref_slice %arg5[%mul3A_2, %dma_wait3A_133, %dma_wait3A_134] : memref<4096x200x64xf32, #tpu.memory_space<hbm>> -> memref<1x200x64xf32, #tpu.memory_space<hbm>>
    %dma_wait3A_136 = tpu.memref_squeeze %dma_wait3A_135 : memref<1x200x64xf32, #tpu.memory_space<hbm>> -> memref<200x64xf32, #tpu.memory_space<hbm>>
    tpu.wait_dma2 semaphore(%dma_wait3A_128 : memref<!tpu.dma_semaphore, #tpu.memory_space<semaphore_mem>>) src(%dma_wait3A_136 : memref<200x64xf32, #tpu.memory_space<hbm>>) dst(%dma_wait3A_132 : memref<200x64xf32, #tpu.memory_space<vmem>>)
    %scan3A_137 = arith.constant 0 : i32
    %scan3A_138 = arith.constant 200 : i32
    %scan3A_139 = arith.addi %scan3A_137, %scan3A_138 : i32
    %scan3A_140 = arith.constant 1 : i32
    scf.for %scan3A_204 = %scan3A_137 to %scan3A_139 step %scan3A_140  : i32 {
      %mul3A_205 = arith.constant 1 : i32
      %mul3A_206 = arith.muli %scan3A_204, %mul3A_205 : i32
      %add3A_207 = arith.constant 0 : i32
      %add3A_208 = arith.addi %add3A_207, %mul3A_206 : i32
      %get3A = arith.constant 1 : i32
      %get3A_209 = arith.index_cast %get3A : i32 to index
      %get3A_210 = arith.index_cast %add3A_208 : i32 to index
      %get3A_211 = arith.constant 0 : index
      %get3A_212 = tpu.vector_load %arg7[%get3A_209, %get3A_210, %get3A_211] {strides = array<i32>} : memref<2x200x64xf32, #tpu.memory_space<vmem>>, vector<1x1x16xf32>,
      %get3A_213 = vector.shape_cast %get3A_212 : vector<1x1x16xf32> to vector<16xf32>
      %get3A_214 = arith.index_cast %add3A_208 : i32 to index
      %get3A_215 = arith.constant 0 : index
      %get3A_216 = tpu.vector_load %arg8[%get3A_214, %get3A_215] {strides = array<i32>} : memref<200x64xf32, #tpu.memory_space<vmem>>, vector<1x16xf32>,
      %get3A_217 = vector.shape_cast %get3A_216 : vector<1x16xf32> to vector<16xf32>
      %add3A_218 = arith.addf %get3A_213, %get3A_217 : vector<16xf32>
      %swap3A = arith.constant 1 : i32
      %swap3A_219 = arith.index_cast %swap3A : i32 to index
      %swap3A_220 = arith.index_cast %add3A_208 : i32 to index
      %swap3A_221 = arith.constant 0 : index
      %swap3A_222 = tpu.vector_load %arg7[%swap3A_219, %swap3A_220, %swap3A_221] {strides = array<i32>} : memref<2x200x64xf32, #tpu.memory_space<vmem>>, vector<1x1x16xf32>,
      %swap3A_223 = vector.shape_cast %swap3A_222 : vector<1x1x16xf32> to vector<16xf32>
      %swap3A_224 = vector.shape_cast %add3A_218 : vector<16xf32> to vector<1x1x16xf32>
      tpu.vector_store %arg7[%swap3A_219, %swap3A_220, %swap3A_221], %swap3A_224 {strides = array<i32>} : memref<2x200x64xf32, #tpu.memory_space<vmem>>, vector<1x1x16xf32>,
      %get3A_225 = arith.constant 1 : i32
      %get3A_226 = arith.index_cast %get3A_225 : i32 to index
      %get3A_227 = arith.index_cast %add3A_208 : i32 to index
      %get3A_228 = arith.constant 16 : index
      %get3A_229 = tpu.vector_load %arg7[%get3A_226, %get3A_227, %get3A_228] {strides = array<i32>} : memref<2x200x64xf32, #tpu.memory_space<vmem>>, vector<1x1x16xf32>,
      %get3A_230 = vector.shape_cast %get3A_229 : vector<1x1x16xf32> to vector<16xf32>
      %get3A_231 = arith.index_cast %add3A_208 : i32 to index
      %get3A_232 = arith.constant 16 : index
      %get3A_233 = tpu.vector_load %arg8[%get3A_231, %get3A_232] {strides = array<i32>} : memref<200x64xf32, #tpu.memory_space<vmem>>, vector<1x16xf32>,
      %get3A_234 = vector.shape_cast %get3A_233 : vector<1x16xf32> to vector<16xf32>
      %add3A_235 = arith.addf %get3A_230, %get3A_234 : vector<16xf32>
      %swap3A_236 = arith.constant 1 : i32
      %swap3A_237 = arith.index_cast %swap3A_236 : i32 to index
      %swap3A_238 = arith.index_cast %add3A_208 : i32 to index
      %swap3A_239 = arith.constant 16 : index
      %swap3A_240 = tpu.vector_load %arg7[%swap3A_237, %swap3A_238, %swap3A_239] {strides = array<i32>} : memref<2x200x64xf32, #tpu.memory_space<vmem>>, vector<1x1x16xf32>,
      %swap3A_241 = vector.shape_cast %swap3A_240 : vector<1x1x16xf32> to vector<16xf32>
      %swap3A_242 = vector.shape_cast %add3A_235 : vector<16xf32> to vector<1x1x16xf32>
      tpu.vector_store %arg7[%swap3A_237, %swap3A_238, %swap3A_239], %swap3A_242 {strides = array<i32>} : memref<2x200x64xf32, #tpu.memory_space<vmem>>, vector<1x1x16xf32>,
      %get3A_243 = arith.constant 1 : i32
      %get3A_244 = arith.index_cast %get3A_243 : i32 to index
      %get3A_245 = arith.index_cast %add3A_208 : i32 to index
      %get3A_246 = arith.constant 32 : index
      %get3A_247 = tpu.vector_load %arg7[%get3A_244, %get3A_245, %get3A_246] {strides = array<i32>} : memref<2x200x64xf32, #tpu.memory_space<vmem>>, vector<1x1x16xf32>,
      %get3A_248 = vector.shape_cast %get3A_247 : vector<1x1x16xf32> to vector<16xf32>
      %get3A_249 = arith.index_cast %add3A_208 : i32 to index
      %get3A_250 = arith.constant 32 : index
      %get3A_251 = tpu.vector_load %arg8[%get3A_249, %get3A_250] {strides = array<i32>} : memref<200x64xf32, #tpu.memory_space<vmem>>, vector<1x16xf32>,
      %get3A_252 = vector.shape_cast %get3A_251 : vector<1x16xf32> to vector<16xf32>
      %add3A_253 = arith.addf %get3A_248, %get3A_252 : vector<16xf32>
      %swap3A_254 = arith.constant 1 : i32
      %swap3A_255 = arith.index_cast %swap3A_254 : i32 to index
      %swap3A_256 = arith.index_cast %add3A_208 : i32 to index
      %swap3A_257 = arith.constant 32 : index
      %swap3A_258 = tpu.vector_load %arg7[%swap3A_255, %swap3A_256, %swap3A_257] {strides = array<i32>} : memref<2x200x64xf32, #tpu.memory_space<vmem>>, vector<1x1x16xf32>,
      %swap3A_259 = vector.shape_cast %swap3A_258 : vector<1x1x16xf32> to vector<16xf32>
      %swap3A_260 = vector.shape_cast %add3A_253 : vector<16xf32> to vector<1x1x16xf32>
      tpu.vector_store %arg7[%swap3A_255, %swap3A_256, %swap3A_257], %swap3A_260 {strides = array<i32>} : memref<2x200x64xf32, #tpu.memory_space<vmem>>, vector<1x1x16xf32>,
      %get3A_261 = arith.constant 1 : i32
      %get3A_262 = arith.index_cast %get3A_261 : i32 to index
      %get3A_263 = arith.index_cast %add3A_208 : i32 to index
      %get3A_264 = arith.constant 48 : index
      %get3A_265 = tpu.vector_load %arg7[%get3A_262, %get3A_263, %get3A_264] {strides = array<i32>} : memref<2x200x64xf32, #tpu.memory_space<vmem>>, vector<1x1x16xf32>,
      %get3A_266 = vector.shape_cast %get3A_265 : vector<1x1x16xf32> to vector<16xf32>
      %get3A_267 = arith.index_cast %add3A_208 : i32 to index
      %get3A_268 = arith.constant 48 : index
      %get3A_269 = tpu.vector_load %arg8[%get3A_267, %get3A_268] {strides = array<i32>} : memref<200x64xf32, #tpu.memory_space<vmem>>, vector<1x16xf32>,
      %get3A_270 = vector.shape_cast %get3A_269 : vector<1x16xf32> to vector<16xf32>
      %add3A_271 = arith.addf %get3A_266, %get3A_270 : vector<16xf32>
      %swap3A_272 = arith.constant 1 : i32
      %swap3A_273 = arith.index_cast %swap3A_272 : i32 to index
      %swap3A_274 = arith.index_cast %add3A_208 : i32 to index
      %swap3A_275 = arith.constant 48 : index
      %swap3A_276 = tpu.vector_load %arg7[%swap3A_273, %swap3A_274, %swap3A_275] {strides = array<i32>} : memref<2x200x64xf32, #tpu.memory_space<vmem>>, vector<1x1x16xf32>,
      %swap3A_277 = vector.shape_cast %swap3A_276 : vector<1x1x16xf32> to vector<16xf32>
      %swap3A_278 = vector.shape_cast %add3A_271 : vector<16xf32> to vector<1x1x16xf32>
      tpu.vector_store %arg7[%swap3A_273, %swap3A_274, %swap3A_275], %swap3A_278 {strides = array<i32>} : memref<2x200x64xf32, #tpu.memory_space<vmem>>, vector<1x1x16xf32>,
    }
    %scan3A_141 = arith.constant 200 : i32
    %add3A_142 = arith.constant 127 : i32
    %add3A_143 = arith.addi %mul3A_2, %add3A_142 : i32
    %dma_start3A_144 = arith.constant 1 : i32
    %dma_start3A_145 = arith.constant 1 : i32
    %dma_start3A_146 = arith.constant 0 : i32
    %dma_start3A_147 = arith.constant 0 : i32
    %dma_start3A_148 = tpu.memref_slice %arg7[%dma_start3A_144, %dma_start3A_146, %dma_start3A_147] : memref<2x200x64xf32, #tpu.memory_space<vmem>> -> memref<1x200x64xf32, #tpu.memory_space<vmem>>
    %dma_start3A_149 = tpu.memref_squeeze %dma_start3A_148 : memref<1x200x64xf32, #tpu.memory_space<vmem>> -> memref<200x64xf32, #tpu.memory_space<vmem>>
    %dma_start3A_150 = arith.constant 0 : i32
    %dma_start3A_151 = arith.constant 0 : i32
    %dma_start3A_152 = tpu.memref_slice %arg5[%add3A_143, %dma_start3A_150, %dma_start3A_151] : memref<4096x200x64xf32, #tpu.memory_space<hbm>> -> memref<1x200x64xf32, #tpu.memory_space<hbm>>
    %dma_start3A_153 = tpu.memref_squeeze %dma_start3A_152 : memref<1x200x64xf32, #tpu.memory_space<hbm>> -> memref<200x64xf32, #tpu.memory_space<hbm>>
    %dma_start3A_154 = tpu.memref_slice %arg10[%dma_start3A_145] : memref<2x!tpu.dma_semaphore, #tpu.memory_space<semaphore_mem>> -> memref<1x!tpu.dma_semaphore, #tpu.memory_space<semaphore_mem>>
    %dma_start3A_155 = tpu.memref_squeeze %dma_start3A_154 : memref<1x!tpu.dma_semaphore, #tpu.memory_space<semaphore_mem>> -> memref<!tpu.dma_semaphore, #tpu.memory_space<semaphore_mem>>
    %dma_start3A_156 = arith.constant 0 : i32
    %dma_start3A_157 = arith.constant 0 : i32
    %dma_start3A_158 = tpu.memref_slice %arg5[%add3A_143, %dma_start3A_156, %dma_start3A_157] : memref<4096x200x64xf32, #tpu.memory_space<hbm>> -> memref<1x200x64xf32, #tpu.memory_space<hbm>>
    %dma_start3A_159 = tpu.memref_squeeze %dma_start3A_158 : memref<1x200x64xf32, #tpu.memory_space<hbm>> -> memref<200x64xf32, #tpu.memory_space<hbm>>
    %dma_start3A_160 = arith.constant 0 : i32
    %dma_start3A_161 = arith.constant 0 : i32
    %dma_start3A_162 = tpu.memref_slice %arg7[%dma_start3A_144, %dma_start3A_160, %dma_start3A_161] : memref<2x200x64xf32, #tpu.memory_space<vmem>> -> memref<1x200x64xf32, #tpu.memory_space<vmem>>
    %dma_start3A_163 = tpu.memref_squeeze %dma_start3A_162 : memref<1x200x64xf32, #tpu.memory_space<vmem>> -> memref<200x64xf32, #tpu.memory_space<vmem>>
    tpu.enqueue_dma source(%dma_start3A_163 : memref<200x64xf32, #tpu.memory_space<vmem>>) target(%dma_start3A_159 : memref<200x64xf32, #tpu.memory_space<hbm>>) target_semaphore(%dma_start3A_155 : memref<!tpu.dma_semaphore, #tpu.memory_space<semaphore_mem>>)
    %dma_wait3A_164 = arith.constant 0 : i32
    %dma_wait3A_165 = arith.constant 0 : i32
    %dma_wait3A_166 = arith.constant 0 : i32
    %dma_wait3A_167 = arith.constant 0 : i32
    %dma_wait3A_168 = tpu.memref_slice %arg7[%dma_wait3A_164, %dma_wait3A_166, %dma_wait3A_167] : memref<2x200x64xf32, #tpu.memory_space<vmem>> -> memref<1x200x64xf32, #tpu.memory_space<vmem>>
    %dma_wait3A_169 = tpu.memref_squeeze %dma_wait3A_168 : memref<1x200x64xf32, #tpu.memory_space<vmem>> -> memref<200x64xf32, #tpu.memory_space<vmem>>
    %dma_wait3A_170 = arith.constant 0 : i32
    %dma_wait3A_171 = arith.constant 0 : i32
    %dma_wait3A_172 = tpu.memref_slice %arg5[%mul3A_2, %dma_wait3A_170, %dma_wait3A_171] : memref<4096x200x64xf32, #tpu.memory_space<hbm>> -> memref<1x200x64xf32, #tpu.memory_space<hbm>>
    %dma_wait3A_173 = tpu.memref_squeeze %dma_wait3A_172 : memref<1x200x64xf32, #tpu.memory_space<hbm>> -> memref<200x64xf32, #tpu.memory_space<hbm>>
    %dma_wait3A_174 = tpu.memref_slice %arg10[%dma_wait3A_165] : memref<2x!tpu.dma_semaphore, #tpu.memory_space<semaphore_mem>> -> memref<1x!tpu.dma_semaphore, #tpu.memory_space<semaphore_mem>>
    %dma_wait3A_175 = tpu.memref_squeeze %dma_wait3A_174 : memref<1x!tpu.dma_semaphore, #tpu.memory_space<semaphore_mem>> -> memref<!tpu.dma_semaphore, #tpu.memory_space<semaphore_mem>>
    %dma_wait3A_176 = arith.constant 0 : i32
    %dma_wait3A_177 = arith.constant 0 : i32
    %dma_wait3A_178 = tpu.memref_slice %arg5[%mul3A_2, %dma_wait3A_176, %dma_wait3A_177] : memref<4096x200x64xf32, #tpu.memory_space<hbm>> -> memref<1x200x64xf32, #tpu.memory_space<hbm>>
    %dma_wait3A_179 = tpu.memref_squeeze %dma_wait3A_178 : memref<1x200x64xf32, #tpu.memory_space<hbm>> -> memref<200x64xf32, #tpu.memory_space<hbm>>
    %dma_wait3A_180 = arith.constant 0 : i32
    %dma_wait3A_181 = arith.constant 0 : i32
    %dma_wait3A_182 = tpu.memref_slice %arg7[%dma_wait3A_164, %dma_wait3A_180, %dma_wait3A_181] : memref<2x200x64xf32, #tpu.memory_space<vmem>> -> memref<1x200x64xf32, #tpu.memory_space<vmem>>
    %dma_wait3A_183 = tpu.memref_squeeze %dma_wait3A_182 : memref<1x200x64xf32, #tpu.memory_space<vmem>> -> memref<200x64xf32, #tpu.memory_space<vmem>>
    tpu.wait_dma2 semaphore(%dma_wait3A_175 : memref<!tpu.dma_semaphore, #tpu.memory_space<semaphore_mem>>) src(%dma_wait3A_183 : memref<200x64xf32, #tpu.memory_space<vmem>>) dst(%dma_wait3A_179 : memref<200x64xf32, #tpu.memory_space<hbm>>)
    %dma_wait3A_184 = arith.constant 1 : i32
    %dma_wait3A_185 = arith.constant 1 : i32
    %dma_wait3A_186 = arith.constant 0 : i32
    %dma_wait3A_187 = arith.constant 0 : i32
    %dma_wait3A_188 = tpu.memref_slice %arg7[%dma_wait3A_184, %dma_wait3A_186, %dma_wait3A_187] : memref<2x200x64xf32, #tpu.memory_space<vmem>> -> memref<1x200x64xf32, #tpu.memory_space<vmem>>
    %dma_wait3A_189 = tpu.memref_squeeze %dma_wait3A_188 : memref<1x200x64xf32, #tpu.memory_space<vmem>> -> memref<200x64xf32, #tpu.memory_space<vmem>>
    %dma_wait3A_190 = arith.constant 0 : i32
    %dma_wait3A_191 = arith.constant 0 : i32
    %dma_wait3A_192 = tpu.memref_slice %arg5[%mul3A_2, %dma_wait3A_190, %dma_wait3A_191] : memref<4096x200x64xf32, #tpu.memory_space<hbm>> -> memref<1x200x64xf32, #tpu.memory_space<hbm>>
    %dma_wait3A_193 = tpu.memref_squeeze %dma_wait3A_192 : memref<1x200x64xf32, #tpu.memory_space<hbm>> -> memref<200x64xf32, #tpu.memory_space<hbm>>
    %dma_wait3A_194 = tpu.memref_slice %arg10[%dma_wait3A_185] : memref<2x!tpu.dma_semaphore, #tpu.memory_space<semaphore_mem>> -> memref<1x!tpu.dma_semaphore, #tpu.memory_space<semaphore_mem>>
    %dma_wait3A_195 = tpu.memref_squeeze %dma_wait3A_194 : memref<1x!tpu.dma_semaphore, #tpu.memory_space<semaphore_mem>> -> memref<!tpu.dma_semaphore, #tpu.memory_space<semaphore_mem>>
    %dma_wait3A_196 = arith.constant 0 : i32
    %dma_wait3A_197 = arith.constant 0 : i32
    %dma_wait3A_198 = tpu.memref_slice %arg5[%mul3A_2, %dma_wait3A_196, %dma_wait3A_197] : memref<4096x200x64xf32, #tpu.memory_space<hbm>> -> memref<1x200x64xf32, #tpu.memory_space<hbm>>
    %dma_wait3A_199 = tpu.memref_squeeze %dma_wait3A_198 : memref<1x200x64xf32, #tpu.memory_space<hbm>> -> memref<200x64xf32, #tpu.memory_space<hbm>>
    %dma_wait3A_200 = arith.constant 0 : i32
    %dma_wait3A_201 = arith.constant 0 : i32
    %dma_wait3A_202 = tpu.memref_slice %arg7[%dma_wait3A_184, %dma_wait3A_200, %dma_wait3A_201] : memref<2x200x64xf32, #tpu.memory_space<vmem>> -> memref<1x200x64xf32, #tpu.memory_space<vmem>>
    %dma_wait3A_203 = tpu.memref_squeeze %dma_wait3A_202 : memref<1x200x64xf32, #tpu.memory_space<vmem>> -> memref<200x64xf32, #tpu.memory_space<vmem>>
    tpu.wait_dma2 semaphore(%dma_wait3A_195 : memref<!tpu.dma_semaphore, #tpu.memory_space<semaphore_mem>>) src(%dma_wait3A_203 : memref<200x64xf32, #tpu.memory_space<vmem>>) dst(%dma_wait3A_199 : memref<200x64xf32, #tpu.memory_space<hbm>>)
    return
  }
}

module attributes {stable_mosaic.version = 14 : i64} {
  func.func @_fuse_body(%arg0: i32, %arg1: memref<2000x64xf32, #tpu.memory_space<vmem>>, %arg2: memref<2000x3xi32, #tpu.memory_space<vmem>>, %arg3: memref<21x64xf32, #tpu.memory_space<vmem>>, %arg4: memref<2000x64xf32, #tpu.memory_space<vmem>>) attributes {dimension_semantics = [#tpu.dimension_semantics<arbitrary>], iteration_bounds = array<i64: 50>, scalar_prefetch = 0 : i64, scratch_operands = 0 : i64, tpu.core_type = #tpu.core_type<tc>, window_params = [{transform_indices = @transform_0, window_bounds = array<i64: 2000, 64>}, {transform_indices = @transform_1, window_bounds = array<i64: 2000, 3>}, {pipeline_mode = #tpu.pipeline_mode<synchronous>, transform_indices = @transform_2, window_bounds = array<i64: 21, 64>}, {transform_indices = @transform_3, window_bounds = array<i64: 2000, 64>}]} {
    %get3A = arith.constant 0 : index
    %get3A_0 = arith.constant 0 : index
    %get3A_1 = vector.load %arg2[%get3A, %get3A_0] : memref<2000x3xi32, #tpu.memory_space<vmem>>, vector<2000x3xi32>
    %iota3A = tpu.iota {dimensions = array<i32: 1>} : vector<2000x21xi32>
    %broadcast_in_dim3A = arith.constant 0.000000e+00 : f32
    %broadcast_in_dim3A_2 = vector.broadcast %broadcast_in_dim3A : f32 to vector<2000x21xf32>
    %slice3A = vector.extract_strided_slice %get3A_1 {offsets = [0, 0], sizes = [2000, 1], strides = [1, 1]} : vector<2000x3xi32> to vector<2000x1xi32>
    %eq3A = vector.broadcast %slice3A : vector<2000x1xi32> to vector<2000x21xi32>
    %eq3A_3 = arith.cmpi eq, %eq3A, %iota3A : vector<2000x21xi32>
    %convert_element_type3A = arith.extui %eq3A_3 : vector<2000x21xi1> to vector<2000x21xi32>
    %convert_element_type3A_4 = arith.sitofp %convert_element_type3A : vector<2000x21xi32> to vector<2000x21xf32>
    %add3A = arith.addf %broadcast_in_dim3A_2, %convert_element_type3A_4 : vector<2000x21xf32>
    %slice3A_5 = vector.extract_strided_slice %get3A_1 {offsets = [0, 1], sizes = [2000, 1], strides = [1, 1]} : vector<2000x3xi32> to vector<2000x1xi32>
    %eq3A_6 = vector.broadcast %slice3A_5 : vector<2000x1xi32> to vector<2000x21xi32>
    %eq3A_7 = arith.cmpi eq, %eq3A_6, %iota3A : vector<2000x21xi32>
    %convert_element_type3A_8 = arith.extui %eq3A_7 : vector<2000x21xi1> to vector<2000x21xi32>
    %convert_element_type3A_9 = arith.sitofp %convert_element_type3A_8 : vector<2000x21xi32> to vector<2000x21xf32>
    %add3A_10 = arith.addf %add3A, %convert_element_type3A_9 : vector<2000x21xf32>
    %slice3A_11 = vector.extract_strided_slice %get3A_1 {offsets = [0, 2], sizes = [2000, 1], strides = [1, 1]} : vector<2000x3xi32> to vector<2000x1xi32>
    %eq3A_12 = vector.broadcast %slice3A_11 : vector<2000x1xi32> to vector<2000x21xi32>
    %eq3A_13 = arith.cmpi eq, %eq3A_12, %iota3A : vector<2000x21xi32>
    %convert_element_type3A_14 = arith.extui %eq3A_13 : vector<2000x21xi1> to vector<2000x21xi32>
    %convert_element_type3A_15 = arith.sitofp %convert_element_type3A_14 : vector<2000x21xi32> to vector<2000x21xf32>
    %add3A_16 = arith.addf %add3A_10, %convert_element_type3A_15 : vector<2000x21xf32>
    %get3A_17 = arith.constant 0 : index
    %get3A_18 = arith.constant 0 : index
    %get3A_19 = vector.load %arg3[%get3A_17, %get3A_18] : memref<21x64xf32, #tpu.memory_space<vmem>>, vector<21x64xf32>
    %dot_general3A = arith.constant dense<0.000000e+00> : vector<2000x64xf32>
    %dot_general3A_20 = tpu.matmul %add3A_16, %get3A_19, %dot_general3A {dimension_numbers = #tpu.dot_dimension_numbers<[1], [0], [0], [1], [0, 0, 1, 1], [], []>, transpose_lhs_hint = false} : vector<2000x21xf32>, vector<21x64xf32>, vector<2000x64xf32> -> vector<2000x64xf32>
    %get3A_21 = arith.constant 0 : index
    %get3A_22 = arith.constant 0 : index
    %get3A_23 = vector.load %arg1[%get3A_21, %get3A_22] : memref<2000x64xf32, #tpu.memory_space<vmem>>, vector<2000x64xf32>
    %mul3A = arith.constant 0.333333343 : f32
    %mul3A_24 = vector.broadcast %mul3A : f32 to vector<2000x64xf32>
    %mul3A_25 = arith.mulf %dot_general3A_20, %mul3A_24 : vector<2000x64xf32>
    %add3A_26 = arith.addf %get3A_23, %mul3A_25 : vector<2000x64xf32>
    %swap3A = arith.constant 0 : index
    %swap3A_27 = arith.constant 0 : index
    %swap3A_28 = vector.load %arg4[%swap3A, %swap3A_27] : memref<2000x64xf32, #tpu.memory_space<vmem>>, vector<2000x64xf32>
    tpu.vector_store %arg4[%swap3A, %swap3A_27], %add3A_26 {strides = array<i32>} : memref<2000x64xf32, #tpu.memory_space<vmem>>, vector<2000x64xf32>,
    return
  }
  func.func @transform_0(%arg0: i32) -> (i32, i32) {
    %c0_i32 = arith.constant 0 : i32
    %c0_i32_0 = arith.constant 0 : i32
    return %arg0, %c0_i32 : i32, i32
  }
  func.func @transform_1(%arg0: i32) -> (i32, i32) {
    %c0_i32 = arith.constant 0 : i32
    %c0_i32_0 = arith.constant 0 : i32
    return %arg0, %c0_i32 : i32, i32
  }
  func.func @transform_2(%arg0: i32) -> (i32, i32) {
    %c0_i32 = arith.constant 0 : i32
    %c0_i32_0 = arith.constant 0 : i32
    %c0_i32_1 = arith.constant 0 : i32
    return %c0_i32, %c0_i32_0 : i32, i32
  }
  func.func @transform_3(%arg0: i32) -> (i32, i32) {
    %c0_i32 = arith.constant 0 : i32
    %c0_i32_0 = arith.constant 0 : i32
    return %arg0, %c0_i32 : i32, i32
  }
}

</mosaic_0001>

<sc_bundles>
// kernel: kernel.4.cloned.1.call-start
scs
__scs_entry_jumppad:
0x0: {  	(pc) =	sbr.rel $0x88, $3  }
0x1: {  	(tag) =	ssettag $0x0;
	lr =	simm.s32 $0x1  }
0x2: {  	[smem:$0x3F9D] =	sst lr;
	_ =	strace $0xD0000000  }
0x3: {  	_ = 	snop  }
0x4: {  	_ = 	snop  }
0x5: {  	_ = 	snop  }
0x6: {  	_ = 	snop  }
0x7: {  	_ = 	snop  }
__scs_overlays_trampoline_lowered:
0x8: {  	[smem:$0x3FAC] =	sst s0  }
0x9: {  	[smem:$0x3FAD] =	sst s1  }
0xa: {  	[smem:$0x3FAE] =	sst s2  }
0xb: {  	[smem:$0x3FAF] =	sst s3  }
0xc: {  	[smem:$0x3FB0] =	sst s4  }
0xd: {  	[smem:$0x3FB1] =	sst s5  }
0xe: {  	[smem:$0x3FB2] =	sst s6  }
0xf: {  	[smem:$0x3FB3] =	sst s7  }
0x10: {  	[smem:$0x3FB4] =	sst s8  }
0x11: {  	[smem:$0x3FB5] =	sst s9;
	s0 =	simm.s32 @!p0 $0x0  }
0x12: {  	s1 =	sld [smem:$0x3F9B];
	s0 =	simm.s32 @p0 $0x1  }
0x13: {  	[smem:$0x3FB6] =	sst s0;
	s0 =	simm.s32 @!p1 $0x0  }
0x14: {  	s2 =	sld [smem:$0x3F9A];
	s0 =	simm.s32 @p1 $0x1  }
0x15: {  	[smem:$0x3FB7] =	sst s0;
	s0 =	simm.s32 @!p2 $0x0  }
0x16: {  	s3 =	sld [smem:$0x3FDB];
	s0 =	simm.s32 @p2 $0x1  }
0x17: {  	s4 =	simm.s32 $0x1BF5;
	[smem:$0x3FB9] =	sst s0  }
0x18: {  	s0 =	sld [smem:$0x3F9C];
	_ =	swait.ge [sflag:s4], $0x0  }
0x19: {  	s7 =	sld [smem:$0x3F9D]  }
0x1a: {  	s8 =	sadd.s32 $0xFFFFE003, lr  }
0x1b: {  	s9 =	sadd.s32 $0xFFFFFEF7, lr;
	s5 =	simm.s32 $0xFFFFFFFF;
	p2 =	slt.u32 s8, $0xFFFFF086  }
0x1c: {  	p1 =	slt.u32 s9, $0xF7A;
	s5 =	simm.s32 @!p2 $0x0  }
0x1d: {  	s5 =	simm.s32 @p1 $0x1;
	p0 =	seq.s32 s7, s2  }
0x1e: {  	s7 =	smul.u32 @!p0 $0xF7A, s2;
	p2 =	seq.s32 @!p0 s5, $0x0  }
0x1f: {  	s9 =	smul.u32 $0xF7A, s1;
	s8 =	simm.s32 @!p0 $0x1BF5;
	p2 =	por !p2, p0  }
0x20: {  	[sflag:s8] =	ssyncset.s32 @!p0 $0xFFFFF086;
	s6 =	sadd.s32 @!p0 s3, s7;
	s7 =	simm.s32 @!p0 $0x108  }
0x21: {  	s3 =	sadd.s32 s3, s9;
	s6 =	sadd.s32 @!p0 $0x88, s6;
	s7 =	simm.s32 @p2 $0x1082  }
0x22: {  	[simem:s7], [sflag:s8] =	dma.local @!p0 [hbm:s6], $0xF7A  }
0x23: {  	s9 =	sor.u32 $0xD0000000, s2;
	s6 =	simm.s32 $0x108;
	_ =	swait.ge @!p0 [sflag:s8], $0x0  }
0x24: {  	s3 =	sadd.s32 $0x88, s3;
	s6 =	simm.s32 @!p1 $0x1082;
	[sflag:s4] =	ssyncset.s32 $0xFFFFF086  }
0x25: {  	[simem:s6], [sflag:s4] =	dma.local [hbm:s3], $0xF7A  }
0x26: {  	[smem:$0x3F9D] =	sst s1;
	(tag) =	ssettag s2;
	_ =	strace s9  }
0x27: {  	s1 =	sld [smem:$0x3FAD]  }
0x28: {  	s2 =	sld [smem:$0x3FAE]  }
0x29: {  	s4 =	sld [smem:$0x3FB0]  }
0x2a: {  	p0 =	seq.s32 s5, $0x0;
	s5 =	sld [smem:$0x3FB1]  }
0x2b: {  	s6 =	sld [smem:$0x3FB2]  }
0x2c: {  	s7 =	sld [smem:$0x3FB3]  }
0x2d: {  	s3 =	simm.s32 $0x108;
	s8 =	sld [smem:$0x3FB4]  }
0x2e: {  	s3 =	simm.s32 @!p0 $0x1082;
	s9 =	sld [smem:$0x3FB5]  }
0x2f: {  	lr =	sadd.s32 s0, s3;
	s0 =	sld [smem:$0x3FAC]  }
0x30: {  	s3 =	sld [smem:$0x3FAF]  }
0x31: {  	[smem:$0x3FB8] =	sst s10  }
0x32: {  	s10 =	sld [smem:$0x3FB6];
	_ =	sdelay $0x3  }
0x33: {  	p0 =	seq.s32 s10, $0x1;
	s10 =	sld [smem:$0x3FB8];
	_ =	sdelay $0x3  }
0x34: {  	[smem:$0x3FB8] =	sst s10  }
0x35: {  	s10 =	sld [smem:$0x3FB7];
	_ =	sdelay $0x3  }
0x36: {  	p1 =	seq.s32 s10, $0x1;
	s10 =	sld [smem:$0x3FB8];
	_ =	sdelay $0x3  }
0x37: {  	[smem:$0x3FB8] =	sst s10  }
0x38: {  	s10 =	sld [smem:$0x3FB9]  }
0x39: {  	_ = 	snop;
	(pc) =	sbr.ind lr, $3  }
0x3a: {  	_ = 	snop  }
0x3b: {  	_ = 	snop  }
0x3c: {  	p2 =	seq.s32 s10, $0x1;
	s10 =	sld [smem:$0x3FB8]  }
0x3d: {  	_ =	shalt  }
0x3e: {  	_ =	shalt  }
0x3f: {  	_ =	shalt  }
0x40: {  	_ =	shalt  }
0x41: {  	_ =	shalt  }
0x42: {  	_ =	shalt  }
0x43: {  	_ =	shalt  }
0x44: {  	_ =	shalt  }
0x45: {  	_ =	shalt  }
0x46: {  	_ =	shalt  }
0x47: {  	_ =	shalt  }
0x48: {  	_ =	shalt  }
0x49: {  	_ =	shalt  }
0x4a: {  	_ =	shalt  }
0x4b: {  	_ =	shalt  }
0x4c: {  	_ =	shalt  }
0x4d: {  	_ =	shalt  }
0x4e: {  	_ =	shalt  }
0x4f: {  	_ =	shalt  }
0x50: {  	_ =	shalt  }
0x51: {  	_ =	shalt  }
0x52: {  	_ =	shalt  }
0x53: {  	_ =	shalt  }
0x54: {  	_ =	shalt  }
0x55: {  	_ =	shalt  }
0x56: {  	_ =	shalt  }
0x57: {  	_ =	shalt  }
0x58: {  	_ =	shalt  }
0x59: {  	_ =	shalt  }
0x5a: {  	_ =	shalt  }
0x5b: {  	_ =	shalt  }
0x5c: {  	_ =	shalt  }
0x5d: {  	_ =	shalt  }
0x5e: {  	_ =	shalt  }
0x5f: {  	_ =	shalt  }
0x60: {  	_ =	shalt  }
0x61: {  	_ =	shalt  }
0x62: {  	_ =	shalt  }
0x63: {  	_ =	shalt  }
0x64: {  	_ =	shalt  }
0x65: {  	_ =	shalt  }
0x66: {  	_ =	shalt  }
0x67: {  	_ =	shalt  }
0x68: {  	_ =	shalt  }
0x69: {  	_ =	shalt  }
0x6a: {  	_ =	shalt  }
0x6b: {  	_ =	shalt  }
0x6c: {  	_ =	shalt  }
0x6d: {  	_ =	shalt  }
0x6e: {  	_ =	shalt  }
0x6f: {  	_ =	shalt  }
0x70: {  	_ =	shalt  }
0x71: {  	_ =	shalt  }
0x72: {  	_ =	shalt  }
0x73: {  	_ =	shalt  }
0x74: {  	_ =	shalt  }
0x75: {  	_ =	shalt  }
0x76: {  	_ =	shalt  }
0x77: {  	_ =	shalt  }
0x78: {  	_ =	shalt  }
0x79: {  	_ =	shalt  }
0x7a: {  	_ =	shalt  }
0x7b: {  	_ =	shalt  }
0x7c: {  	_ =	shalt  }
0x7d: {  	_ =	shalt  }
0x7e: {  	_ =	shalt  }
0x7f: {  	_ =	shalt  }
0x80: {  	_ =	shalt  }
0x81: {  	_ =	shalt  }
0x82: {  	_ =	shalt  }
0x83: {  	_ =	shalt  }
0x84: {  	_ =	shalt  }
0x85: {  	_ =	shalt  }
0x86: {  	_ =	shalt  }
0x87: {  	_ =	shalt  }
.Lfunc_end0:
.L_simem_size_0:
called_computation.1_lowered:
.L_overlay_start_0:
0x88: {  	s2 =	sld [smem:$0x3FD9]  }
0x89: {  	s3 =	sld [smem:$0x3FFE];
	_ =	sdelay $0x1  }
0x8a: {  	s1 =	srdreg.scid  }
0x8b: {  	s0 =	sand.u32 $0x1, s1  }
0x8c: {  	s17 =	sshll.u32 s0, $0xA;
	s2 =	sadd.s32 s3, s2  }
0x8d: {  	s2 =	sadd.s32 s2, s17  }
0x8e: {  	[smem:$0x3FC4] =	sst s2  }
0x8f: {  	_ = 	snop  }
0x90: {  	s2 =	sld [smem:$0x3FD0];
	(tm) =	ssettm $0x1  }
0x91: {  	s18 =	sld [smem:$0x3FFB];
	_ =	sdelay $0x3  }
0x92: {  	_ =	strace s18  }
0x93: {  	s3 =	sld [smem:$0x3FFC];
	_ =	sdelay $0x3  }
0x94: {  	_ =	strace s3  }
0x95: {  	s3 =	sld [smem:$0x3FFD];
	_ =	sdelay $0x3  }
0x96: {  	_ =	strace s3  }
0x97: {  	_ =	strace $0x8FFFFFFF  }
0x98: {  	s19 =	sld [smem:$0x3FDB];
	_ =	sdelay $0x1  }
0x99: {  	s4 =	simm.s32 $_scs_section_size  }
0x9a: {  	s5 =	simm.s32 $_size__tile_overlayer_lowered;
	s6 =	simm.s32 $_tile_overlayer_lowered  }
0x9b: {  	s22 =	simm.s32 $0x1BFF;
	s21 =	sshll.u32 s6, $0x1;
	s3 =	sadd.s32 s4, s19  }
0x9c: {  	s7 =	simm.s32 $0x0;
	s20 =	sshll.u32 s5, $0x1;
	s5 =	sadd.s32 s21, s3  }
0x9d: {  	[timem:s7], [sflag:s22] =	dma.local [hbm:s5], s20  }
0x9e: {  	_ =	swait.ge [sflag:s22], s20  }
0x9f: {  	s4 =	ssub.s32 $0x0, s20;
	[sflag:s22] =	ssyncset.done $0x0  }
0xa0: {  	[sflag:s22] =	ssyncadd.s32 s4;
	_ =	sdelay $0x1  }
0xa1: {  	s23 =	simm.s32 $0x1B8B  }
0xa2: {  	_ =	swait.ge [sflag:s23], $0x1  }
0xa3: {  	[sflag:s23] =	ssyncset.done $0x0  }
0xa4: {  	s25 =	simm.s32 $0x1B8E;
	s24 =	sld [smem:$0x3FFE];
	[sflag:s23] =	ssyncadd.s32 $0xFFFFFFFF  }
0xa5: {  	s26 =	simm.s32 $execute0_lowered;
	[smem:$0x3FD2] =	sst s25  }
0xa6: {  	s5 =	sshll.u32 s26, $0x1;
	_ =	strace $0x80000046;
	[dreg:$0x1] =	wrdreg $0xFFFFFFFF  }
0xa7: {  	s28 =	simm.s32 $_size_execute0_lowered;
	s3 =	sadd.s32 s3, s5;
	[dreg:$0x0] =	wrdreg $0x0  }
0xa8: {  	s5 =	sshll.u32 s28, $0x1;
	[dreg:$0x2] =	wrdreg s3  }
0xa9: {  	[dreg:$0x3] =	wrdreg s5  }
0xaa: {  	[dreg:$0x4] =	wrdreg $0xC0  }
0xab: {  	_ =	task [dreg:s7], $0x5FFFF  }
0xac: {  	[dreg:$0x1] =	wrdreg $0xFFFFFFFF  }
0xad: {  	[dreg:$0x0] =	wrdreg $0x60  }
0xae: {  	[dreg:$0x2] =	wrdreg s24  }
0xaf: {  	[dreg:$0x3] =	wrdreg s2  }
0xb0: {  	[dreg:$0x4] =	wrdreg $0x9  }
0xb1: {  	_ =	task.clear_ibuf [dreg:s7], $0x5FFFF;
	_ =	strace $0x90000046  }
0xb2: {  	s29 =	simm.s32 $0x9;
	_ =	strace $0x80000048  }
0xb3: {  	_ =	swait.ge [sflag:s29], $0x1  }
0xb4: {  	[sflag:s29] =	ssyncadd.s32 $0xFFFFFFFF  }
0xb5: {  	_ =	strace $0x90000048  }
0xb6: {  	_ =	sfence  }
0xb7: {  	s30 =	sld [smem:$0x0];
	_ =	sdelay $0x2  }
0xb8: {  	s31 =	sshll.u32 s1, $0xD;
	s1 =	sshrl.u32 s1, $0x2  }
0xb9: {  	s3 =	sand.u32 $0x4000, s31;
	s1 =	sadd.s32 s1, s30  }
0xba: {  	s0 =	sor.u32 s3, s0;
	s1 =	sshll.u32 s1, $0x11  }
0xbb: {  	s0 =	sor.u32 s1, s0  }
0xbc: {  	s0 =	sadd.s32 $0x8F2B, s0  }
0xbd: {  	[sflag:s0] =	ssyncadd.remote.s32 $0x1  }
0xbe: {  	_ =	sfence.sel $0xFFFF  }
0xbf: {  	[dreg:$0x0] =	wrdreg $0xFFFFFFFF;
	(pc) =	sbr.abs _section_cstart, $3  }
0xc0: {  	[dreg:$0x1] =	wrdreg $0xFFFFFFFF  }
0xc1: {  	_ =	task.clear_ibuf [dreg:s7], $0x2FFFF;
	_ =	strace $0x9FFFFFFF  }
0xc2: {  	(tm) =	ssettm $0x7FFFFFFF  }
0xc3: {  	_ =	shalt  }
tec
execute0_lowered:
.L_overlay_start_1:
0x0: {  	(tag) =	ssettag $0x1  }
0x1: {  	s0 =	rddreg [dreg:$0x0]  }
0x2: {  	s2 =	rddreg [dreg:$0x1]  }
0x3: {  	s1 =	srdreg.scid;
	s4 =	stileid.u32  }
0x4: {  	s3 =	simm.s32 $0x0;
	s16 =	simm.s32 $0x5;
	s17 =	simm.s32 $0x68  }
0x5: {  	s18 =	simm.s32 $0x190;
	s19 =	simm.s32 $0x60;
	s20 =	simm.s32 $0x1B90  }
0x6: {  	s21 =	simm.s32 $0xC8;
	s22 =	simm.s32 $0x3390;
	s23 =	simm.s32 $0x130  }
0x7: {  	s24 =	simm.s32 $0x4D90;
	s25 =	simm.s32 $0x1;
	s28 =	simm.s32 $0x3  }
0x8: {  	s29 =	simm.s32 $0x4;
	s30 =	simm.s32 $0x0;
	s1 =	sand.u32 $0x1, s1  }
0x9: {  	s4 =	sshll.u32 s4, $0x8;
	[smem:$0x7FF] =	sst s3;
	s5 =	sshll.u32 s1, $0x7  }
0xa: {  	s6 =	sadd.s32 $0x1400, s0;
	_ =	strace $0x80000047;
	s4 =	sor.u32 s5, s4  }
0xb: {  	s1 =	ssub.s32 $0x2, s1;
	s5 =	sadd.s32 $0x1A400, s0;
	s8 =	smul.u32 $0x19, s4  }
0xc: {  	s0 =	sadd.s32 $0xC00, s0;
	s26 =	sshrl.u32 s1, $0x1;
	s10 =	smul.u32 $0x3200, s4  }
0xd: {  	[dreg:$0x3] =	wrdreg s0;
	s0 =	ssub.s32 s1, s26;
	s11 =	sor.u32 $0x3, s4  }
0xe: {  	s26 =	simm.s32 $0x2;
	s14 =	smax.u32 s0, $0x1;
	s31 =	sshrl.u32 s10, $0x3  }
0xf: {  	s8 =	sadd.s32 s6, s8;
	s10 =	sor.u32 $0x2, s4;
	s1 =	sadd.s32 s2, s31  }
0x10: {  	s9 =	sadd.s32 $0x19, s8;
	s12 =	sadd.s32 $0x31380, s1;
	s13 =	sadd.s32 $0x319C0, s1  }
.LBB2_1:
0x11: {  	s0 =	rddreg [dreg:$0x3];
	s1 =	simm.s32 $0x6590  }
0x12: {  	[tilespmem:s1], [sflag:$0x5] =	stream.linear.gather [hbm4b:s0+s3], $0x3200, $0x38;
	[tilespmem:$0x9790] =	vst v63  }
0x13: {  	_ =	swait.ge [sflag:s16], $0x3200  }
0x14: {  	[sflag:s16] =	ssyncset.done $0x0  }
0x15: {  	[sflag:s16] =	ssyncadd.s32 $0xFFFFCE00  }
0x16: {  	[tilespmem:s3], [sflag:$0x5] =	stream.linear.gather [hbm4b:s8+s3], $0xC8, $0x38;
	[tilespmem:$0x9790] =	vst v63  }
0x17: {  	_ =	swait.ge [sflag:s16], $0xC8  }
0x18: {  	[sflag:s16] =	ssyncset.done $0x0  }
0x19: {  	[sflag:s16] =	ssyncadd.s32 $0xFFFFFF38  }
0x1a: {  	[tilespmem:s18], [sflag:$0x1] =	stream.indirect.gather [hbm4b:s5+s17], $0x40, s3, s17, $0xb8;
	[tilespmem:$0x9790] =	vst v63  }
0x1b: {  	_ = 	snop  }
0x1c: {  	[tilespmem:s20], [sflag:$0x1] =	stream.indirect.gather [hbm4b:s5+s19], $0x40, s17, s19, $0xb8;
	[tilespmem:$0x9790] =	vst v63  }
0x1d: {  	_ = 	snop  }
0x1e: {  	[tilespmem:s21], [sflag:$0x5] =	stream.linear.gather [hbm4b:s9+s3], $0xC8, $0x38;
	[tilespmem:$0x9790] =	vst v63  }
0x1f: {  	_ =	swait.ge [sflag:s16], $0xC8  }
0x20: {  	[sflag:s16] =	ssyncset.done $0x0  }
0x21: {  	[sflag:s16] =	ssyncadd.s32 $0xFFFFFF38  }
0x22: {  	[tilespmem:s22], [sflag:$0x2] =	stream.indirect.gather [hbm4b:s5+s17], $0x40, s21, s17, $0xb8;
	[tilespmem:$0x9790] =	vst v63  }
0x23: {  	s31 =	simm.s32 $0x0  }
0x24: {  	[tilespmem:s24], [sflag:$0x2] =	stream.indirect.gather [hbm4b:s5+s19], $0x40, s23, s19, $0xb8;
	[tilespmem:$0x9790] =	vst v63  }
.LBB2_2:
0x25: {  	_ =	swait.ge [sflag:s25], $0x3200  }
0x26: {  	[sflag:s25] =	ssyncset.done $0x0  }
0x27: {  	s1 =	simm.s32 $0x0;
	[sflag:s25] =	ssyncadd.s32 $0xFFFFCE00  }
0x28: {  	v5 =	vld [tilespmem:s1+$0x6590]  }
0x29: {  	v6 =	vld [tilespmem:s1+$0x65A0]  }
0x2a: {  	v1 =	vld [tilespmem:s1+$0x65B0]  }
0x2b: {  	v0 =	vld [tilespmem:s1+$0x65C0]  }
0x2c: {  	v3 =	vld [tilespmem:s1+$0x190]  }
0x2d: {  	v4 =	vld [tilespmem:s1+$0x1A0]  }
0x2e: {  	s0 =	simm.s32 $0x100;
	v2 =	vld [tilespmem:s1+$0x1B0]  }
.LBB2_3:
0x2f: {  	s15 =	sshra.s32 s0, $0x2;
	p0 =	sne.s32 s0, $0xC700;
	v7 =	vld [tilespmem:s1+$0x1C0];
	v8 =	vmov v1  }
0x30: {  	v9 =	vld [tilespmem:s15+$0x6590];
	v10 =	vmov v0  }
0x31: {  	v11 =	vld [tilespmem:s15+$0x65A0];
	v3 =	vadd.f32 v5, v3  }
.Ltmp0:
0x32: {  	v1 =	vld [tilespmem:s15+$0x65B0];
	v4 =	vadd.f32 v6, v4;
	(pc) =	sbr.rel @p0 .LBB2_3-.Ltmp0, $4  }
0x33: {  	v0 =	vld [tilespmem:s15+$0x65C0];
	[tilespmem:s1+$0x190] =	vst v3;
	v2 =	vadd.f32 v8, v2  }
0x34: {  	v3 =	vld [tilespmem:s15+$0x190];
	[tilespmem:s1+$0x1A0] =	vst v4;
	v7 =	vadd.f32 v10, v7  }
0x35: {  	v4 =	vld [tilespmem:s15+$0x1A0];
	[tilespmem:s1+$0x1B0] =	vst v2;
	v5 =	vmov v9  }
0x36: {  	s0 =	sadd.s32 $0x100, s0;
	v2 =	vld [tilespmem:s15+$0x1B0];
	[tilespmem:s1+$0x1C0] =	vst v7;
	v6 =	vmov v11;
	s1 =	smov.u32 s15  }
0x37: {  	v7 =	vld [tilespmem:s1+$0x1C0];
	_ =	sdelay $0x1  }
0x38: {  	v3 =	vadd.f32 v5, v3  }
0x39: {  	s0 =	sshll.u32 s31, $0x1;
	v4 =	vadd.f32 v6, v4  }
0x3a: {  	s15 =	sadd.s32 s4, s0;
	[tilespmem:s1+$0x190] =	vst v3;
	v1 =	vadd.f32 v1, v2  }
0x3b: {  	s15 =	smul.u32 $0x640, s15;
	[tilespmem:s1+$0x1A0] =	vst v4;
	v0 =	vadd.f32 v0, v7  }
0x3c: {  	[tilespmem:s1+$0x1B0] =	vst v1  }
0x3d: {  	s7 =	simm.s32 $0x0;
	s15 =	sadd.s32 s2, s15;
	[tilespmem:s1+$0x1C0] =	vst v0  }
0x3e: {  	[hbm4b:s15+s7] =	stream.linear.scatter [tilespmem:s18], [sflag:$0x3], $0x3200, $0x38;
	[tilespmem:$0x9790] =	vst v63  }
0x3f: {  	_ =	swait.ge [sflag:s26], $0x3200  }
0x40: {  	[sflag:s26] =	ssyncset.done $0x0  }
0x41: {  	s1 =	simm.s32 $0x0;
	[sflag:s26] =	ssyncadd.s32 $0xFFFFCE00  }
0x42: {  	v5 =	vld [tilespmem:s1+$0x6590]  }
0x43: {  	v6 =	vld [tilespmem:s1+$0x65A0]  }
0x44: {  	v1 =	vld [tilespmem:s1+$0x65B0]  }
0x45: {  	v0 =	vld [tilespmem:s1+$0x65C0]  }
0x46: {  	v3 =	vld [tilespmem:s1+$0x3390]  }
0x47: {  	v4 =	vld [tilespmem:s1+$0x33A0]  }
0x48: {  	s15 =	simm.s32 $0x100;
	v2 =	vld [tilespmem:s1+$0x33B0]  }
.LBB2_5:
0x49: {  	s7 =	sshra.s32 s15, $0x2;
	p0 =	sne.s32 s15, $0xC700;
	v7 =	vld [tilespmem:s1+$0x33C0];
	v8 =	vmov v1  }
0x4a: {  	v9 =	vld [tilespmem:s7+$0x6590];
	v10 =	vmov v0  }
0x4b: {  	v11 =	vld [tilespmem:s7+$0x65A0];
	v3 =	vadd.f32 v5, v3  }
.Ltmp1:
0x4c: {  	v1 =	vld [tilespmem:s7+$0x65B0];
	v4 =	vadd.f32 v6, v4;
	(pc) =	sbr.rel @p0 .LBB2_5-.Ltmp1, $4  }
0x4d: {  	v0 =	vld [tilespmem:s7+$0x65C0];
	[tilespmem:s1+$0x3390] =	vst v3;
	v2 =	vadd.f32 v8, v2  }
0x4e: {  	v3 =	vld [tilespmem:s7+$0x3390];
	[tilespmem:s1+$0x33A0] =	vst v4;
	v7 =	vadd.f32 v10, v7  }
0x4f: {  	v4 =	vld [tilespmem:s7+$0x33A0];
	[tilespmem:s1+$0x33B0] =	vst v2;
	v5 =	vmov v9  }
0x50: {  	s15 =	sadd.s32 $0x100, s15;
	v2 =	vld [tilespmem:s7+$0x33B0];
	[tilespmem:s1+$0x33C0] =	vst v7;
	v6 =	vmov v11;
	s1 =	smov.u32 s7  }
0x51: {  	v7 =	vld [tilespmem:s1+$0x33C0];
	_ =	sdelay $0x1  }
0x52: {  	v3 =	vadd.f32 v5, v3  }
0x53: {  	s7 =	sadd.s32 s0, s4;
	v4 =	vadd.f32 v6, v4  }
0x54: {  	s7 =	smul.u32 $0x640, s7;
	[tilespmem:s1+$0x3390] =	vst v3;
	v1 =	vadd.f32 v1, v2  }
0x55: {  	[tilespmem:s1+$0x33A0] =	vst v4;
	v0 =	vadd.f32 v0, v7  }
0x56: {  	s15 =	sadd.s32 s0, s10;
	s7 =	sadd.s32 s2, s7;
	[tilespmem:s1+$0x33B0] =	vst v1  }
0x57: {  	s15 =	smul.u32 $0x19, s15;
	s7 =	sadd.s32 $0x640, s7;
	[tilespmem:s1+$0x33C0] =	vst v0  }
0x58: {  	[hbm4b:s7+s3] =	stream.linear.scatter [tilespmem:s22], [sflag:$0x4], $0x3200, $0x38;
	[tilespmem:$0x9790] =	vst v63  }
0x59: {  	s7 =	sadd.s32 s6, s15  }
0x5a: {  	[tilespmem:s3], [sflag:$0x5] =	stream.linear.gather [hbm4b:s7+s3], $0xC8, $0x38;
	[tilespmem:$0x9790] =	vst v63  }
0x5b: {  	_ =	swait.ge [sflag:s16], $0xC8  }
0x5c: {  	[sflag:s16] =	ssyncset.done $0x0  }
0x5d: {  	[sflag:s16] =	ssyncadd.s32 $0xFFFFFF38  }
0x5e: {  	_ =	swait.ge [sflag:s28], $0x3200  }
0x5f: {  	[sflag:s28] =	ssyncset.done $0x0  }
0x60: {  	s15 =	sadd.s32 s0, s11;
	[sflag:s28] =	ssyncadd.s32 $0xFFFFCE00  }
0x61: {  	[tilespmem:s18], [sflag:$0x1] =	stream.indirect.gather [hbm4b:s5+s17], $0x40, s3, s17, $0xb8;
	[tilespmem:$0x9790] =	vst v63  }
0x62: {  	s0 =	smul.u32 $0x19, s15  }
0x63: {  	[tilespmem:s20], [sflag:$0x1] =	stream.indirect.gather [hbm4b:s5+s19], $0x40, s17, s19, $0xb8;
	[tilespmem:$0x9790] =	vst v63  }
0x64: {  	s0 =	sadd.s32 s6, s0  }
0x65: {  	[tilespmem:s21], [sflag:$0x5] =	stream.linear.gather [hbm4b:s0+s3], $0xC8, $0x38;
	[tilespmem:$0x9790] =	vst v63  }
0x66: {  	_ =	swait.ge [sflag:s16], $0xC8  }
0x67: {  	[sflag:s16] =	ssyncset.done $0x0  }
0x68: {  	s31 =	sadd.s32 $0x1, s31;
	[sflag:s16] =	ssyncadd.s32 $0xFFFFFF38  }
0x69: {  	p0 =	sne.s32 s31, $0x3F;
	_ =	swait.ge [sflag:s29], $0x3200  }
.Ltmp2:
0x6a: {  	[sflag:s29] =	ssyncset.done $0x0;
	(pc) =	sbr.rel @p0 .LBB2_2-.Ltmp2, $4  }
0x6b: {  	[sflag:s29] =	ssyncadd.s32 $0xFFFFCE00  }
0x6c: {  	[tilespmem:s22], [sflag:$0x2] =	stream.indirect.gather [hbm4b:s5+s17], $0x40, s21, s17, $0xb8;
	[tilespmem:$0x9790] =	vst v63  }
0x6d: {  	_ = 	snop  }
0x6e: {  	[tilespmem:s24], [sflag:$0x2] =	stream.indirect.gather [hbm4b:s5+s19], $0x40, s23, s19, $0xb8;
	[tilespmem:$0x9790] =	vst v63  }
0x6f: {  	_ =	swait.ge [sflag:s25], $0x3200  }
0x70: {  	[sflag:s25] =	ssyncset.done $0x0  }
0x71: {  	s0 =	simm.s32 $0x0;
	[sflag:s25] =	ssyncadd.s32 $0xFFFFCE00  }
0x72: {  	v5 =	vld [tilespmem:s0+$0x6590]  }
0x73: {  	v6 =	vld [tilespmem:s0+$0x65A0]  }
0x74: {  	v1 =	vld [tilespmem:s0+$0x65B0]  }
0x75: {  	v0 =	vld [tilespmem:s0+$0x65C0]  }
0x76: {  	v2 =	vld [tilespmem:s0+$0x190]  }
0x77: {  	v4 =	vld [tilespmem:s0+$0x1A0]  }
0x78: {  	s1 =	simm.s32 $0x100;
	v3 =	vld [tilespmem:s0+$0x1B0]  }
.LBB2_8:
0x79: {  	s7 =	sshra.s32 s1, $0x2;
	p0 =	sne.s32 s1, $0xC700;
	v7 =	vld [tilespmem:s0+$0x1C0];
	v8 =	vmov v1  }
0x7a: {  	v9 =	vld [tilespmem:s7+$0x6590];
	v10 =	vmov v0  }
0x7b: {  	v11 =	vld [tilespmem:s7+$0x65A0];
	v2 =	vadd.f32 v5, v2  }
.Ltmp3:
0x7c: {  	v1 =	vld [tilespmem:s7+$0x65B0];
	v4 =	vadd.f32 v6, v4;
	(pc) =	sbr.rel @p0 .LBB2_8-.Ltmp3, $4  }
0x7d: {  	v0 =	vld [tilespmem:s7+$0x65C0];
	[tilespmem:s0+$0x190] =	vst v2;
	v3 =	vadd.f32 v8, v3  }
0x7e: {  	v2 =	vld [tilespmem:s7+$0x190];
	[tilespmem:s0+$0x1A0] =	vst v4;
	v7 =	vadd.f32 v10, v7  }
0x7f: {  	v4 =	vld [tilespmem:s7+$0x1A0];
	[tilespmem:s0+$0x1B0] =	vst v3;
	v5 =	vmov v9  }
0x80: {  	s1 =	sadd.s32 $0x100, s1;
	v3 =	vld [tilespmem:s7+$0x1B0];
	[tilespmem:s0+$0x1C0] =	vst v7;
	v6 =	vmov v11;
	s0 =	smov.u32 s7  }
0x81: {  	v7 =	vld [tilespmem:s0+$0x1C0];
	_ =	sdelay $0x1  }
0x82: {  	v2 =	vadd.f32 v5, v2  }
0x83: {  	v4 =	vadd.f32 v6, v4  }
0x84: {  	[tilespmem:s0+$0x190] =	vst v2;
	v1 =	vadd.f32 v1, v3  }
0x85: {  	[tilespmem:s0+$0x1A0] =	vst v4;
	v0 =	vadd.f32 v0, v7  }
0x86: {  	[tilespmem:s0+$0x1B0] =	vst v1  }
0x87: {  	s31 =	simm.s32 $0x0;
	[tilespmem:s0+$0x1C0] =	vst v0  }
0x88: {  	[hbm4b:s12+s31] =	stream.linear.scatter [tilespmem:s18], [sflag:$0x3], $0x3200, $0x38;
	[tilespmem:$0x9790] =	vst v63  }
0x89: {  	_ =	swait.ge [sflag:s26], $0x3200  }
0x8a: {  	[sflag:s26] =	ssyncset.done $0x0  }
0x8b: {  	s0 =	simm.s32 $0x0;
	[sflag:s26] =	ssyncadd.s32 $0xFFFFCE00  }
0x8c: {  	v5 =	vld [tilespmem:s0+$0x6590]  }
0x8d: {  	v6 =	vld [tilespmem:s0+$0x65A0]  }
0x8e: {  	v1 =	vld [tilespmem:s0+$0x65B0]  }
0x8f: {  	v0 =	vld [tilespmem:s0+$0x65C0]  }
0x90: {  	v2 =	vld [tilespmem:s0+$0x3390]  }
0x91: {  	v4 =	vld [tilespmem:s0+$0x33A0]  }
0x92: {  	s1 =	simm.s32 $0x100;
	v3 =	vld [tilespmem:s0+$0x33B0]  }
.LBB2_10:
0x93: {  	s7 =	sshra.s32 s1, $0x2;
	p0 =	sne.s32 s1, $0xC700;
	v7 =	vld [tilespmem:s0+$0x33C0];
	v8 =	vmov v1  }
0x94: {  	v9 =	vld [tilespmem:s7+$0x6590];
	v10 =	vmov v0  }
0x95: {  	v11 =	vld [tilespmem:s7+$0x65A0];
	v2 =	vadd.f32 v5, v2  }
.Ltmp4:
0x96: {  	v1 =	vld [tilespmem:s7+$0x65B0];
	v4 =	vadd.f32 v6, v4;
	(pc) =	sbr.rel @p0 .LBB2_10-.Ltmp4, $4  }
0x97: {  	v0 =	vld [tilespmem:s7+$0x65C0];
	[tilespmem:s0+$0x3390] =	vst v2;
	v3 =	vadd.f32 v8, v3  }
0x98: {  	v2 =	vld [tilespmem:s7+$0x3390];
	[tilespmem:s0+$0x33A0] =	vst v4;
	v7 =	vadd.f32 v10, v7  }
0x99: {  	v4 =	vld [tilespmem:s7+$0x33A0];
	[tilespmem:s0+$0x33B0] =	vst v3;
	v5 =	vmov v9  }
0x9a: {  	s1 =	sadd.s32 $0x100, s1;
	v3 =	vld [tilespmem:s7+$0x33B0];
	[tilespmem:s0+$0x33C0] =	vst v7;
	v6 =	vmov v11;
	s0 =	smov.u32 s7  }
0x9b: {  	v7 =	vld [tilespmem:s0+$0x33C0];
	_ =	sdelay $0x1  }
0x9c: {  	v2 =	vadd.f32 v5, v2  }
0x9d: {  	v4 =	vadd.f32 v6, v4  }
0x9e: {  	[tilespmem:s0+$0x3390] =	vst v2;
	v1 =	vadd.f32 v1, v3  }
0x9f: {  	[tilespmem:s0+$0x33A0] =	vst v4;
	v0 =	vadd.f32 v0, v7  }
0xa0: {  	[tilespmem:s0+$0x33B0] =	vst v1  }
0xa1: {  	s30 =	sadd.s32 $0x1, s30;
	[tilespmem:s0+$0x33C0] =	vst v0  }
0xa2: {  	[hbm4b:s13+s3] =	stream.linear.scatter [tilespmem:s22], [sflag:$0x4], $0x3200, $0x38;
	[tilespmem:$0x9790] =	vst v63  }
0xa3: {  	p0 =	sne.s32 s30, s14;
	_ =	swait.ge [sflag:s28], $0x3200  }
.Ltmp5:
0xa4: {  	[sflag:s28] =	ssyncset.done $0x0;
	(pc) =	sbr.rel @p0 .LBB2_1-.Ltmp5, $4  }
0xa5: {  	[sflag:s28] =	ssyncadd.s32 $0xFFFFCE00  }
0xa6: {  	_ =	swait.ge [sflag:s29], $0x3200  }
0xa7: {  	[sflag:s29] =	ssyncset.done $0x0  }
0xa8: {  	[sflag:s29] =	ssyncadd.s32 $0xFFFFCE00  }
0xa9: {  	_ =	sfence.sel $0x180000  }
0xaa: {  	[bflag:$0x0] =	sbarrier.arrive $0xFFFF  }
0xab: {  	_ =	strace $0x90000047  }
0xac: {  	s0 =	stileid.u32;
	[bflag:$0x2] =	sbarrier.arrive $0xFFFF  }
0xad: {  	p0 =	sne.s32 s0, $0x0;
	s0 =	rddreg [dreg:$0x2]  }
0xae: {  	s0 =	sadd.s32 @!p0 $0x100000, s0  }
0xaf: {  	[sflag:s0] =	ssyncadd.tile.s32 @!p0 $0x1;
	_ =	shalt  }
.Lfunc_end2:
_tile_overlayer_lowered:
.L_overlay_start_2:
0xb0: {  	(tag) =	ssettag $0x2  }
0xb1: {  	s0 =	rddreg [dreg:$0x0];
	s2 =	stileid.u32  }
0xb2: {  	s1 =	rddreg [dreg:$0x1];
	p0 =	sne.s32 s2, $0x0  }
0xb3: {  	s3 =	rddreg [dreg:$0x2];
	[bflag:$0x3] =	sbarrier.arrive $0xFFFF;
	s2 =	simm.s32 @!p0 $0x1C05  }
0xb4: {  	[timem:s3], [sflag:s2] =	dma.local @!p0 [hbm:s0], s1  }
0xb5: {  	s0 =	simm.s32 @!p0 $0x5  }
0xb6: {  	_ =	swait.ge @!p0 [sflag:s0], s1  }
0xb7: {  	s1 =	ssub.s32 @!p0 $0x0, s1;
	[sflag:s0] =	ssyncset.done @!p0 $0x0  }
0xb8: {  	[sflag:s0] =	ssyncadd.s32 @!p0 s1  }
0xb9: {  	[bflag:$0x3] =	sbarrier.arrive $0xFFFF  }
0xba: {  	_ =	shalt  }

// kernel: sparse-core-data-format-call.cloned.1.call-start
scs
called_computation_lowered:
.L_overlay_start_0:
0x0: {  	s2 =	sld [smem:$0x3FD9]  }
0x1: {  	s3 =	sld [smem:$0x3FFE];
	_ =	sdelay $0x1  }
0x2: {  	s1 =	srdreg.scid  }
0x3: {  	s0 =	sand.u32 $0x1, s1  }
0x4: {  	s18 =	sshll.u32 s0, $0xA;
	s2 =	sadd.s32 s3, s2  }
0x5: {  	s2 =	sadd.s32 s2, s18  }
0x6: {  	[smem:$0x3FC4] =	sst s2  }
0x7: {  	_ = 	snop  }
0x8: {  	s2 =	sld [smem:$0x3FD0];
	(tm) =	ssettm $0x1  }
0x9: {  	s19 =	sld [smem:$0x3FFB];
	_ =	sdelay $0x3  }
0xa: {  	_ =	strace s19  }
0xb: {  	s3 =	sld [smem:$0x3FFC];
	_ =	sdelay $0x3  }
0xc: {  	_ =	strace s3  }
0xd: {  	s3 =	sld [smem:$0x3FFD];
	_ =	sdelay $0x3  }
0xe: {  	_ =	strace s3  }
0xf: {  	_ =	strace $0x8FFFFFFF  }
0x10: {  	s20 =	sld [smem:$0x3FDB];
	_ =	sdelay $0x1  }
0x11: {  	s4 =	simm.s32 $_scs_section_size  }
0x12: {  	s5 =	simm.s32 $_size__tile_overlayer_lowered;
	s6 =	simm.s32 $_tile_overlayer_lowered  }
0x13: {  	s23 =	simm.s32 $0x1BFF;
	s22 =	sshll.u32 s6, $0x1;
	s3 =	sadd.s32 s4, s20  }
0x14: {  	s7 =	simm.s32 $0x0;
	s21 =	sshll.u32 s5, $0x1;
	s5 =	sadd.s32 s22, s3  }
0x15: {  	[timem:s7], [sflag:s23] =	dma.local [hbm:s5], s21  }
0x16: {  	_ =	swait.ge [sflag:s23], s21  }
0x17: {  	s4 =	ssub.s32 $0x0, s21;
	[sflag:s23] =	ssyncset.done $0x0  }
0x18: {  	[sflag:s23] =	ssyncadd.s32 s4;
	_ =	sdelay $0x1  }
0x19: {  	s24 =	simm.s32 $0x1B8B  }
0x1a: {  	_ =	swait.ge [sflag:s24], $0x1  }
0x1b: {  	[sflag:s24] =	ssyncset.done $0x0  }
0x1c: {  	s26 =	simm.s32 $0x1B8E;
	s25 =	sld [smem:$0x3FFE];
	[sflag:s24] =	ssyncadd.s32 $0xFFFFFFFF  }
0x1d: {  	s27 =	simm.s32 $execute0_lowered;
	[smem:$0x3FD2] =	sst s26  }
0x1e: {  	s5 =	sshll.u32 s27, $0x1;
	_ =	strace $0x80000049;
	[dreg:$0x1] =	wrdreg $0xFFFFFFFF  }
0x1f: {  	s28 =	simm.s32 $_size_execute0_lowered;
	s3 =	sadd.s32 s3, s5;
	[dreg:$0x0] =	wrdreg $0x0  }
0x20: {  	s5 =	sshll.u32 s28, $0x1;
	[dreg:$0x2] =	wrdreg s3  }
0x21: {  	[dreg:$0x3] =	wrdreg s5  }
0x22: {  	[dreg:$0x4] =	wrdreg $0xC0  }
0x23: {  	_ =	task [dreg:s7], $0x5FFFF  }
0x24: {  	[dreg:$0x1] =	wrdreg $0xFFFFFFFF  }
0x25: {  	[dreg:$0x0] =	wrdreg $0x60  }
0x26: {  	[dreg:$0x2] =	wrdreg s25  }
0x27: {  	[dreg:$0x3] =	wrdreg s2  }
0x28: {  	[dreg:$0x4] =	wrdreg $0x9  }
0x29: {  	_ =	task.clear_ibuf [dreg:s7], $0x5FFFF;
	_ =	strace $0x90000049  }
0x2a: {  	s29 =	simm.s32 $0x9;
	_ =	strace $0x8000004B  }
0x2b: {  	_ =	swait.ge [sflag:s29], $0x1  }
0x2c: {  	[sflag:s29] =	ssyncadd.s32 $0xFFFFFFFF  }
0x2d: {  	_ =	strace $0x9000004B  }
0x2e: {  	_ =	sfence  }
0x2f: {  	s30 =	sld [smem:$0x0];
	_ =	sdelay $0x2  }
0x30: {  	s31 =	sshll.u32 s1, $0xD;
	s1 =	sshrl.u32 s1, $0x2  }
0x31: {  	s3 =	sand.u32 $0x4000, s31;
	s1 =	sadd.s32 s1, s30  }
0x32: {  	s0 =	sor.u32 s3, s0;
	s1 =	sshll.u32 s1, $0x11  }
0x33: {  	s0 =	sor.u32 s1, s0  }
0x34: {  	s0 =	sadd.s32 $0x8F2B, s0  }
0x35: {  	[sflag:s0] =	ssyncadd.remote.s32 $0x1  }
0x36: {  	_ =	sfence.sel $0xFFFF  }
0x37: {  	[dreg:$0x0] =	wrdreg $0xFFFFFFFF;
	(pc) =	sbr.abs _section_cstart, $3  }
0x38: {  	[dreg:$0x1] =	wrdreg $0xFFFFFFFF  }
0x39: {  	_ =	task.clear_ibuf [dreg:s7], $0x2FFFF;
	_ =	strace $0x9FFFFFFF  }
0x3a: {  	(tm) =	ssettm $0x7FFFFFFF  }
0x3b: {  	_ =	shalt  }
tec
execute0_lowered:
.L_overlay_start_1:
0x0: {  	(tag) =	ssettag $0x1  }
0x1: {  	s0 =	srdreg.scid  }
0x2: {  	s1 =	sshll.u32 s0, $0x4  }
0x3: {  	s0 =	stileid.u32;
	s1 =	sand.u32 $0x10, s1  }
0x4: {  	s1 =	sor.u32 s0, s1  }
0x5: {  	s6 =	rddreg [dreg:$0x0];
	s4 =	simm.s32 $0x1;
	s2 =	sshll.u32 s1, $0x7  }
0x6: {  	s7 =	simm.s32 $0x2;
	s12 =	simm.s32 $0x0;
	s1 =	ssub.s32 $0x1000, s2  }
0x7: {  	s8 =	simm.s32 $0x8000;
	s13 =	simm.s32 $0x0;
	s3 =	sand.u32 $0xF80, s1  }
0x8: {  	s9 =	simm.s32 $0x0;
	s5 =	sshrl.u32 s1, $0xC;
	p0 =	sne.s32 s3, $0x0  }
.Ltmp0:
0x9: {  	s1 =	rddreg [dreg:$0x2];
	s4 =	simm.s32 @!p0 $0x0;
	(pc) =	sbr.rel .LBB1_1-.Ltmp0, $4  }
0xa: {  	s11 =	simm.s32 $0x0;
	s3 =	rddreg [dreg:$0x1];
	s5 =	sadd.s32 s4, s5  }
0xb: {  	_ =	strace $0x8000004A;
	s4 =	simm.s32 $0x1;
	s5 =	smul.u32 $0xC8, s5  }
0xc: {  	s6 =	sadd.s32 $0xC00, s6;
	s10 =	smov.u32 s2;
	[sflag:s4] =	ssyncpa.u1 $0x0  }
0xd: {  	p0 =	por $0x0, $0x0;
	[sflag:s7] =	ssyncpa.u1 $0x0;
	s7 =	sor.u32 $0x1, s5  }
.LBB1_4:
0xe: {  	s16 =	sshll.u32 s13, $0x3;
	s17 =	sand.u32 $0x78, s13  }
0xf: {  	s30 =	sand.u32 $0x7E00, s13;
	s12 =	sshll.u32 s12, $0xF;
	s16 =	sand.u32 $0xC00, s16  }
0x10: {  	[tilespmem:s15+$0x810 ss:$0x81] =	vst.msk $0xffff, v2;
	s31 =	sand.u32 $0x7, s13;
	s16 =	sor.u32 s17, s16;
	s17 =	sadd.s32 s3, s30  }
0x11: {  	[tilespmem:s15+$0x1020 ss:$0x81] =	vst.msk $0xffff, v0;
	s13 =	sshll.u32 s31, $0x12;
	s12 =	sadd.s32 s12, s17;
	s16 =	sshrl.u32 s16, $0x3  }
0x12: {  	[tilespmem:s15+$0x0 ss:$0x81] =	vst.msk $0xffff, v1;
	s13 =	sor.u32 $0x400, s13;
	s12 =	sadd.s32 s16, s12  }
0x13: {  	[hbm4b:s12+s13] =	stream.strided.scatter [tilespmem:s14], [sflag:$0x2], $0x2000, s8, s13, $0x20;
	[tilespmem:$0x8080] =	vst v63  }
.LBB1_5:
0x14: {  	s14 =	sadd.s32 $0x1, s9  }
0x15: {  	s12 =	sadd.s32 $0x1000, s10;
	s16 =	smov.u32 s10;
	p2 =	sgt.s32 s14, $0xC7  }
0x16: {  	s16 =	smov.u32 @p2 s12  }
0x17: {  	s14 =	simm.s32 @p2 $0x0;
	p2 =	sgt.s32 s16, $0xFFF  }
0x18: {  	s16 =	smov.u32 @p2 s2;
	p2 =	sne.s32 s11, s7  }
.Ltmp1:
0x19: {  	p1 =	slt.u32 s11, $0x2;
	(pc) =	sbr.rel @!p2 .LBB1_6-.Ltmp1, $4  }
0x1a: {  	s15 =	simm.s32 @!p1 $0x2  }
0x1b: {  	s13 =	smov.u32 s10;
	p0 =	por !p0, !p0;
	_ =	swait.ge @!p1 [sflag:s15], $0x2000  }
0x1c: {  	s12 =	smov.u32 s9;
	[sflag:s15] =	ssyncset.done @!p1 $0x0;
	s9 =	smov.u32 s14  }
0x1d: {  	s11 =	sadd.s32 $0x1, s11;
	[sflag:s15] =	ssyncadd.s32 @!p1 $0xFFFFE000;
	s10 =	smov.u32 s16  }
.LBB1_1:
0x1e: {  	p1 =	sge.u32 s11, s5  }
0x1f: {  	s14 =	sand.u32 @!p1 $0x1FFFFFF, s9  }
0x20: {  	s15 =	smulhi.u32 @!p1 $0x147AE15, s14;
	_ =	sdelay $0x1  }
0x21: {  	s15 =	smul.u32 @!p1 $0xC8, s15  }
0x22: {  	s16 =	sxor.u32 @!p1 $0xFFFFFFFF, s11;
	s17 =	smul.u32 @!p1 $0xC80, s10  }
0x23: {  	s31 =	sadd.s32 $0xFFFFFFFF, s11;
	s16 =	sshll.u32 @!p1 s16, $0xD;
	s14 =	ssub.s32 @!p1 s14, s15  }
0x24: {  	s15 =	sand.u32 @!p1 $0x2000, s16;
	s16 =	sadd.s32 @!p1 s6, s17;
	s14 =	sshll.u32 @!p1 s14, $0x4  }
0x25: {  	s17 =	simm.s32 @!p1 $0x6400;
	s14 =	sadd.s32 @!p1 s14, s16;
	s16 =	simm.s32 @!p1 $0x40  }
0x26: {  	[tilespmem:s15], [sflag:$0x1] =	stream.strided.gather @!p1 [hbm4b:s14+s16], $0x2000, s17, s16, $0x38;
	[tilespmem:$0x8080] =	vst v63  }
0x27: {  	p1 =	sge.u32 s31, s5  }
.Ltmp2:
0x28: {  	_ = 	snop;
	(pc) =	sbr.rel @p1 .LBB1_5-.Ltmp2, $1  }
0x29: {  	_ =	sdelay $0x3  }
0x2a: {  	s14 =	simm.s32 $0x1  }
0x2b: {  	_ =	swait.ge [sflag:s4], $0x2000;
	s14 =	simm.s32 @!p0 $0x0  }
0x2c: {  	[sflag:s4] =	ssyncset.done $0x0;
	s15 =	sshll.u32 s14, $0xD  }
0x2d: {  	[sflag:s4] =	ssyncadd.s32 $0xFFFFE000;
	s18 =	sor.u32 $0x20, s15  }
0x2e: {  	s14 =	smul.u32 $0x8100, s14;
	v3 =	vld [tilespmem:s18+$0x10]  }
0x2f: {  	s30 =	sand.u32 $0x1, s11;
	v2 =	vld [tilespmem:s18+$0xFFFFFFF0]  }
0x30: {  	s15 =	smul.u32 $0x8100, s30;
	s14 =	sshrl.u32 s14, $0x2;
	v0 =	vld [tilespmem:s18+$0x0]  }
0x31: {  	v1 =	vld [tilespmem:s18+$0xFFFFFFE0];
	s16 =	sor.u32 $0x4000, s14  }
0x32: {  	s31 =	sshrl.u32 s15, $0x2;
	s15 =	sadd.s32 $0x0, s16  }
0x33: {  	s17 =	simm.s32 $0x4;
	s18 =	sadd.s32 $0x40, s18;
	s14 =	sor.u32 $0x4000, s31;
	[tilespmem:s15+$0x1830 ss:$0x81] =	vst.msk $0xffff, v3  }
.LBB1_3:
0x34: {  	v3 =	vld [tilespmem:s18+$0x10];
	p1 =	sne.s32 s17, $0x1FC;
	[tilespmem:s15+$0x810 ss:$0x81] =	vst.msk $0xffff, v2;
	s19 =	smov.u32 s17;
	s17 =	sadd.s32 $0x4, s17  }
.Ltmp3:
0x35: {  	v2 =	vld [tilespmem:s18+$0xFFFFFFF0];
	[tilespmem:s15+$0x1020 ss:$0x81] =	vst.msk $0xffff, v0;
	(pc) =	sbr.rel @p1 .LBB1_3-.Ltmp3, $4  }
0x36: {  	v0 =	vld [tilespmem:s18+$0x0];
	[tilespmem:s15+$0x0 ss:$0x81] =	vst.msk $0xffff, v1  }
0x37: {  	s15 =	sshra.s32 s19, $0x2;
	v1 =	vld [tilespmem:s18+$0xFFFFFFE0]  }
0x38: {  	s15 =	sadd.s32 s15, s16  }
0x39: {  	s18 =	sadd.s32 $0x40, s18;
	[tilespmem:s15+$0x1830 ss:$0x81] =	vst.msk $0xffff, v3  }
.Ltmp4:
0x3a: {  	_ = 	snop;
	(pc) =	sbr.rel .LBB1_4-.Ltmp4, $1  }
0x3b: {  	_ =	sdelay $0x3  }
.LBB1_6:
0x3c: {  	_ =	sfence.sel $0x180000  }
0x3d: {  	s2 =	simm.s32 $0x1;
	[bflag:$0x0] =	sbarrier.arrive $0xFFFF  }
0x3e: {  	s31 =	simm.s32 $0x2;
	[sflag:s2] =	ssyncpa.u1 $0x1  }
0x3f: {  	[sflag:s31] =	ssyncpa.u1 $0x1  }
0x40: {  	p0 =	sne.s32 s0, $0x0;
	_ =	strace $0x9000004A  }
0x41: {  	s0 =	sadd.s32 @!p0 $0x100000, s1;
	[bflag:$0x2] =	sbarrier.arrive $0xFFFF  }
0x42: {  	[sflag:s0] =	ssyncadd.tile.s32 @!p0 $0x1;
	_ =	shalt  }
.Lfunc_end1:
_tile_overlayer_lowered:
.L_overlay_start_2:
0x43: {  	(tag) =	ssettag $0x2  }
0x44: {  	s0 =	rddreg [dreg:$0x0];
	s2 =	stileid.u32  }
0x45: {  	s1 =	rddreg [dreg:$0x1];
	p0 =	sne.s32 s2, $0x0  }
0x46: {  	s3 =	rddreg [dreg:$0x2];
	[bflag:$0x3] =	sbarrier.arrive $0xFFFF;
	s2 =	simm.s32 @!p0 $0x1C01  }
0x47: {  	[timem:s3], [sflag:s2] =	dma.local @!p0 [hbm:s0], s1  }
0x48: {  	s0 =	simm.s32 @!p0 $0x1  }
0x49: {  	_ =	swait.ge @!p0 [sflag:s0], s1  }
0x4a: {  	s1 =	ssub.s32 @!p0 $0x0, s1;
	[sflag:s0] =	ssyncset.done @!p0 $0x0  }
0x4b: {  	[sflag:s0] =	ssyncadd.s32 @!p0 s1  }
0x4c: {  	[bflag:$0x3] =	sbarrier.arrive $0xFFFF  }
0x4d: {  	_ =	shalt  }

</sc_bundles>
